<compile_context>
chip_gen: v7x
topology: tpu7x:2x2x1
jax: 0.10.2.dev20260603
libtpu: 0.0.44.dev20260713+nightly
codegen_flags: <defaults>
</compile_context>

<pallas_src>
import jax
import jax.numpy as jnp
from jax import lax
from jax.experimental import pallas as pl
from jax.experimental.pallas import tpu as pltpu
from jax.experimental.pallas import tpu_sc as plsc

N = 320000
D = 128
S = 10000

NC = 2
NS = 16
NW = NC * NS

B = 80
NCHUNK = N // B
FULL = NCHUNK // NW
NBUF = 3
NGROUP = 41
STRIPE = 624
ZR = 208


def _fill_rows(ref, nrows, ncols, val):
    v = jnp.full((16,), val, jnp.float32)
    cb = ncols // 16

    def body(i, carry):
        r = i // cb
        c = i % cb
        ref[r, pl.ds(c * 16, 16)] = v
        return carry

    lax.fori_loop(0, nrows * cb, body, 0)


def _sc_body(x_hbm, ids_hbm, out_s, out_c, sums_sh, cnts_sh, x_v, idx_v,
             ones_v, zrow_v, gsem, ssem):
    cid = lax.axis_index("c")
    sid = lax.axis_index("s")
    wid = sid * NC + cid
    row0 = wid * (FULL * B)
    chunk0 = wid * FULL

    for b in range(1, NBUF):
        pltpu.async_copy(x_hbm.at[pl.ds(row0 + b * B, B)], x_v.at[b],
                         gsem.at[b])
        pltpu.async_copy(ids_hbm.at[chunk0 + b], idx_v.at[b], gsem.at[b])

    _fill_rows(x_v.at[0], B, D, 0.0)
    _fill_rows(zrow_v, ZR, 16, 0.0)
    _fill_rows(ones_v, B, 16, 1.0)
    r0 = sid * STRIPE
    zcopies = []
    for k in range(7):
        zcopies.append((x_v.at[0], sums_sh.at[pl.ds(r0 + k * B, B)]))
    zcopies.append((x_v.at[0].at[pl.ds(0, STRIPE - 7 * B)],
                    sums_sh.at[pl.ds(r0 + 7 * B, STRIPE - 7 * B)]))
    for k in range(3):
        zcopies.append((zrow_v, cnts_sh.at[pl.ds(r0 + k * ZR, ZR)]))
    for src, dst in zcopies:
        pltpu.async_copy(src, dst, ssem.at[0])
    for src, dst in zcopies:
        pltpu.make_async_copy(src, dst, ssem.at[0]).wait()

    @pl.when(sid == 0)
    def _():
        pltpu.sync_copy(x_v.at[0].at[pl.ds(0, 16)],
                        sums_sh.at[pl.ds(NS * STRIPE, 16)])
        pltpu.sync_copy(zrow_v.at[pl.ds(0, 16)],
                        cnts_sh.at[pl.ds(NS * STRIPE, 16)])

    plsc.subcore_barrier()

    pltpu.async_copy(x_hbm.at[pl.ds(row0, B)], x_v.at[0], gsem.at[0])
    pltpu.async_copy(ids_hbm.at[chunk0], idx_v.at[0], gsem.at[0])

    def group(i, carry):
        for b in range(NBUF):
            j = i * NBUF + b
            pltpu.make_async_copy(x_hbm.at[pl.ds(row0 + j * B, B)],
                                  x_v.at[b], gsem.at[b]).wait()
            pltpu.make_async_copy(ids_hbm.at[chunk0 + j], idx_v.at[b],
                                  gsem.at[b]).wait()
            pltpu.async_copy(x_v.at[b], sums_sh.at[idx_v.at[b]], ssem.at[b],
                             add=True)
            pltpu.async_copy(ones_v, cnts_sh.at[idx_v.at[b]], ssem.at[b],
                             add=True)
        for b in range(NBUF):
            j2 = (i + 1) * NBUF + b
            pltpu.make_async_copy(x_v.at[b], sums_sh.at[idx_v.at[b]],
                                  ssem.at[b]).wait()
            pltpu.make_async_copy(ones_v, cnts_sh.at[idx_v.at[b]],
                                  ssem.at[b]).wait()

            @pl.when(j2 < FULL)
            def _():
                pltpu.async_copy(x_hbm.at[pl.ds(row0 + j2 * B, B)],
                                 x_v.at[b], gsem.at[b])
                pltpu.async_copy(ids_hbm.at[chunk0 + j2], idx_v.at[b],
                                 gsem.at[b])
        return carry

    lax.fori_loop(0, NGROUP, group, 0)

    for b in range(FULL - NGROUP * NBUF):
        j = NGROUP * NBUF + b
        pltpu.make_async_copy(x_hbm.at[pl.ds(row0 + j * B, B)],
                              x_v.at[b], gsem.at[b]).wait()
        pltpu.make_async_copy(ids_hbm.at[chunk0 + j], idx_v.at[b],
                              gsem.at[b]).wait()
        pltpu.sync_copy(x_v.at[b], sums_sh.at[idx_v.at[b]], add=True)
        pltpu.sync_copy(ones_v, cnts_sh.at[idx_v.at[b]], add=True)

    plsc.subcore_barrier()
    wcopies = [
        (sums_sh.at[pl.ds(r0, STRIPE)], out_s.at[cid, pl.ds(r0, STRIPE)]),
        (cnts_sh.at[pl.ds(r0, STRIPE)], out_c.at[cid, pl.ds(r0, STRIPE)]),
    ]
    for src, dst in wcopies:
        pltpu.async_copy(src, dst, gsem.at[0])

    @pl.when(sid == 0)
    def _():
        pltpu.sync_copy(sums_sh.at[pl.ds(NS * STRIPE, 16)],
                        out_s.at[cid, pl.ds(NS * STRIPE, 16)])
        pltpu.sync_copy(cnts_sh.at[pl.ds(NS * STRIPE, 16)],
                        out_c.at[cid, pl.ds(NS * STRIPE, 16)])

    for src, dst in wcopies:
        pltpu.make_async_copy(src, dst, gsem.at[0]).wait()


_sc_accumulate = pl.kernel(
    _sc_body,
    out_type=(
        jax.ShapeDtypeStruct((NC, S, D), jnp.float32),
        jax.ShapeDtypeStruct((NC, S, 16), jnp.float32),
    ),
    mesh=plsc.VectorSubcoreMesh(core_axis_name="c", subcore_axis_name="s"),
    compiler_params=pltpu.CompilerParams(use_tc_tiling_on_sc=False),
    scratch_types=[
        pltpu.VMEM_SHARED((S, D), jnp.float32),
        pltpu.VMEM_SHARED((S, 16), jnp.float32),
        pltpu.VMEM((NBUF, B, D), jnp.float32),
        pltpu.VMEM((NBUF, B), jnp.int32),
        pltpu.VMEM((B, 16), jnp.float32),
        pltpu.VMEM((ZR, 16), jnp.float32),
        pltpu.SemaphoreType.DMA((NBUF,)),
        pltpu.SemaphoreType.DMA((NBUF,)),
    ],
)


def _merge_body(s_ref, c_ref, o_ref):
    sums = s_ref[0] + s_ref[1]
    cnt = c_ref[0, :, 0:1] + c_ref[1, :, 0:1]
    o_ref[...] = sums / jnp.maximum(cnt, 1.0)


MB = 1000

_merge = pl.pallas_call(
    _merge_body,
    grid=(S // MB,),
    in_specs=[
        pl.BlockSpec((NC, MB, D), lambda i: (0, i, 0)),
        pl.BlockSpec((NC, MB, 16), lambda i: (0, i, 0)),
    ],
    out_specs=pl.BlockSpec((MB, D), lambda i: (i, 0)),
    out_shape=jax.ShapeDtypeStruct((S, D), jnp.float32),
)


def kernel(x, batch):
    ids = batch.astype(jnp.int32).reshape(NCHUNK, B)
    sums, cnts = _sc_accumulate(x, ids)
    return _merge(sums, cnts)

# --- scband reference (transcript-rebuilt; emitter-appended) ---
"""Pipeline reference for scband-mean-n-batch-41764261986552 (READ-ONLY COPY).

The authoritative reference and input builder live on the scoring server;
editing this copy changes nothing except your own understanding.
"""

import jax, jax.numpy as jnp
import numpy as np

N = 320000
D = 128
NUM_SEGMENTS = 10000

def setup_inputs(seed: int = 0) -> dict:
    key = jax.random.key(seed)
    k1, k2 = jax.random.split(key)
    x = jax.random.normal(k1, (N, D), dtype=jnp.float32)
    batch = jnp.sort(jax.random.randint(k2, (N,), 0, NUM_SEGMENTS, dtype=jnp.int64))
    return {"x": x, "batch": batch}

def reference(x, batch):
    # scatter_mean(x, batch, dim=0): per-segment sum divided by per-segment count
    sums = jax.ops.segment_sum(x, batch, num_segments=NUM_SEGMENTS)
    counts = jax.ops.segment_sum(jnp.ones((x.shape[0],), dtype=x.dtype), batch, num_segments=NUM_SEGMENTS)
    # segments with zero count stay zero (matching torch_scatter scatter_mean semantics)
    return sums / jnp.clip(counts, 1.0, None)[:, None]

if __name__ == "__main__":
    import jax
    _d = setup_inputs()
    print(jax.jit(kernel)(*tuple(_d.values())))

</pallas_src>

<mosaic_0001>
#map = affine_map<(d0, d1) -> (0, 0)>
#map1 = affine_map<(d0, d1) -> (0, 0, 0)>
module attributes {stable_mosaic.version = 14 : i64} {
  func.func @_sc_body(%arg0: i32, %arg1: i32, %arg2: memref<320000x128xf32, #tpu.memory_space<hbm>>, %arg3: memref<4000x80xi32, #tpu.memory_space<hbm>>, %arg4: memref<2x10000x128xf32, #tpu.memory_space<hbm>>, %arg5: memref<2x10000x16xf32, #tpu.memory_space<hbm>>, %arg6: memref<10000x128xf32, #tpu.memory_space<vmem_shared>>, %arg7: memref<10000x16xf32, #tpu.memory_space<vmem_shared>>, %arg8: memref<3x80x128xf32, #tpu.memory_space<vmem>>, %arg9: memref<3x80xi32, #tpu.memory_space<vmem>>, %arg10: memref<80x16xf32, #tpu.memory_space<vmem>>, %arg11: memref<208x16xf32, #tpu.memory_space<vmem>>, %arg12: memref<3x!tpu.dma_semaphore, #tpu.memory_space<semaphore_mem>>, %arg13: memref<3x!tpu.dma_semaphore, #tpu.memory_space<semaphore_mem>>) attributes {dimension_semantics = [#tpu.dimension_semantics<core_parallel>, #tpu.dimension_semantics<subcore_parallel>], iteration_bounds = array<i64: 2, 16>, scalar_prefetch = 0 : i64, scratch_operands = 8 : i64, tpu.core_type = #tpu.core_type<sc_vector_subcore>, window_params = [{transform_indices = #map}, {transform_indices = #map}, {transform_indices = #map1}, {transform_indices = #map1}]} {
    %mul3A = arith.constant 2 : i32
    %mul3A_0 = arith.muli %arg1, %mul3A : i32
    %add3A = arith.addi %mul3A_0, %arg0 : i32
    %mul3A_1 = arith.constant 10000 : i32
    %mul3A_2 = arith.muli %add3A, %mul3A_1 : i32
    %mul3A_3 = arith.constant 125 : i32
    %mul3A_4 = arith.muli %add3A, %mul3A_3 : i32
    %add3A_5 = arith.constant 80 : i32
    %add3A_6 = arith.addi %mul3A_2, %add3A_5 : i32
    %dma_start3A = arith.constant 1 : i32
    %dma_start3A_7 = arith.constant 1 : i32
    %dma_start3A_8 = arith.constant 0 : i32
    %dma_start3A_9 = arith.constant 0 : i32
    %dma_start3A_10 = tpu.memref_slice %arg8[%dma_start3A, %dma_start3A_8, %dma_start3A_9] : memref<3x80x128xf32, #tpu.memory_space<vmem>> -> memref<1x80x128xf32, #tpu.memory_space<vmem>>
    %dma_start3A_11 = tpu.memref_squeeze %dma_start3A_10 : memref<1x80x128xf32, #tpu.memory_space<vmem>> -> memref<80x128xf32, #tpu.memory_space<vmem>>
    %dma_start3A_12 = arith.constant 0 : i32
    %dma_start3A_13 = tpu.memref_slice %arg2[%add3A_6, %dma_start3A_12] : memref<320000x128xf32, #tpu.memory_space<hbm>> -> memref<80x128xf32, #tpu.memory_space<hbm>>
    %dma_start3A_14 = tpu.memref_slice %arg12[%dma_start3A_7] : memref<3x!tpu.dma_semaphore, #tpu.memory_space<semaphore_mem>> -> memref<1x!tpu.dma_semaphore, #tpu.memory_space<semaphore_mem>>
    %dma_start3A_15 = tpu.memref_squeeze %dma_start3A_14 : memref<1x!tpu.dma_semaphore, #tpu.memory_space<semaphore_mem>> -> memref<!tpu.dma_semaphore, #tpu.memory_space<semaphore_mem>>
    %dma_start3A_16 = arith.constant 0 : i32
    %dma_start3A_17 = arith.constant 0 : i32
    %dma_start3A_18 = tpu.memref_slice %arg8[%dma_start3A, %dma_start3A_16, %dma_start3A_17] : memref<3x80x128xf32, #tpu.memory_space<vmem>> -> memref<1x80x128xf32, #tpu.memory_space<vmem>>
    %dma_start3A_19 = tpu.memref_squeeze %dma_start3A_18 : memref<1x80x128xf32, #tpu.memory_space<vmem>> -> memref<80x128xf32, #tpu.memory_space<vmem>>
    %dma_start3A_20 = arith.constant 0 : i32
    %dma_start3A_21 = tpu.memref_slice %arg2[%add3A_6, %dma_start3A_20] : memref<320000x128xf32, #tpu.memory_space<hbm>> -> memref<80x128xf32, #tpu.memory_space<hbm>>
    tpu.enqueue_dma source(%dma_start3A_21 : memref<80x128xf32, #tpu.memory_space<hbm>>) target(%dma_start3A_19 : memref<80x128xf32, #tpu.memory_space<vmem>>) target_semaphore(%dma_start3A_15 : memref<!tpu.dma_semaphore, #tpu.memory_space<semaphore_mem>>)
    %add3A_22 = arith.constant 1 : i32
    %add3A_23 = arith.addi %mul3A_4, %add3A_22 : i32
    %dma_start3A_24 = arith.constant 1 : i32
    %dma_start3A_25 = arith.constant 1 : i32
    %dma_start3A_26 = arith.constant 0 : i32
    %dma_start3A_27 = tpu.memref_slice %arg9[%dma_start3A_24, %dma_start3A_26] : memref<3x80xi32, #tpu.memory_space<vmem>> -> memref<1x80xi32, #tpu.memory_space<vmem>>
    %dma_start3A_28 = tpu.memref_squeeze %dma_start3A_27 : memref<1x80xi32, #tpu.memory_space<vmem>> -> memref<80xi32, #tpu.memory_space<vmem>>
    %dma_start3A_29 = arith.constant 0 : i32
    %dma_start3A_30 = tpu.memref_slice %arg3[%add3A_23, %dma_start3A_29] : memref<4000x80xi32, #tpu.memory_space<hbm>> -> memref<1x80xi32, #tpu.memory_space<hbm>>
    %dma_start3A_31 = tpu.memref_squeeze %dma_start3A_30 : memref<1x80xi32, #tpu.memory_space<hbm>> -> memref<80xi32, #tpu.memory_space<hbm>>
    %dma_start3A_32 = tpu.memref_slice %arg12[%dma_start3A_25] : memref<3x!tpu.dma_semaphore, #tpu.memory_space<semaphore_mem>> -> memref<1x!tpu.dma_semaphore, #tpu.memory_space<semaphore_mem>>
    %dma_start3A_33 = tpu.memref_squeeze %dma_start3A_32 : memref<1x!tpu.dma_semaphore, #tpu.memory_space<semaphore_mem>> -> memref<!tpu.dma_semaphore, #tpu.memory_space<semaphore_mem>>
    %dma_start3A_34 = arith.constant 0 : i32
    %dma_start3A_35 = tpu.memref_slice %arg9[%dma_start3A_24, %dma_start3A_34] : memref<3x80xi32, #tpu.memory_space<vmem>> -> memref<1x80xi32, #tpu.memory_space<vmem>>
    %dma_start3A_36 = tpu.memref_squeeze %dma_start3A_35 : memref<1x80xi32, #tpu.memory_space<vmem>> -> memref<80xi32, #tpu.memory_space<vmem>>
    %dma_start3A_37 = arith.constant 0 : i32
    %dma_start3A_38 = tpu.memref_slice %arg3[%add3A_23, %dma_start3A_37] : memref<4000x80xi32, #tpu.memory_space<hbm>> -> memref<1x80xi32, #tpu.memory_space<hbm>>
    %dma_start3A_39 = tpu.memref_squeeze %dma_start3A_38 : memref<1x80xi32, #tpu.memory_space<hbm>> -> memref<80xi32, #tpu.memory_space<hbm>>
    tpu.enqueue_dma source(%dma_start3A_39 : memref<80xi32, #tpu.memory_space<hbm>>) target(%dma_start3A_36 : memref<80xi32, #tpu.memory_space<vmem>>) target_semaphore(%dma_start3A_33 : memref<!tpu.dma_semaphore, #tpu.memory_space<semaphore_mem>>)
    %add3A_40 = arith.constant 160 : i32
    %add3A_41 = arith.addi %mul3A_2, %add3A_40 : i32
    %dma_start3A_42 = arith.constant 2 : i32
    %dma_start3A_43 = arith.constant 2 : i32
    %dma_start3A_44 = arith.constant 0 : i32
    %dma_start3A_45 = arith.constant 0 : i32
    %dma_start3A_46 = tpu.memref_slice %arg8[%dma_start3A_42, %dma_start3A_44, %dma_start3A_45] : memref<3x80x128xf32, #tpu.memory_space<vmem>> -> memref<1x80x128xf32, #tpu.memory_space<vmem>>
    %dma_start3A_47 = tpu.memref_squeeze %dma_start3A_46 : memref<1x80x128xf32, #tpu.memory_space<vmem>> -> memref<80x128xf32, #tpu.memory_space<vmem>>
    %dma_start3A_48 = arith.constant 0 : i32
    %dma_start3A_49 = tpu.memref_slice %arg2[%add3A_41, %dma_start3A_48] : memref<320000x128xf32, #tpu.memory_space<hbm>> -> memref<80x128xf32, #tpu.memory_space<hbm>>
    %dma_start3A_50 = tpu.memref_slice %arg12[%dma_start3A_43] : memref<3x!tpu.dma_semaphore, #tpu.memory_space<semaphore_mem>> -> memref<1x!tpu.dma_semaphore, #tpu.memory_space<semaphore_mem>>
    %dma_start3A_51 = tpu.memref_squeeze %dma_start3A_50 : memref<1x!tpu.dma_semaphore, #tpu.memory_space<semaphore_mem>> -> memref<!tpu.dma_semaphore, #tpu.memory_space<semaphore_mem>>
    %dma_start3A_52 = arith.constant 0 : i32
    %dma_start3A_53 = arith.constant 0 : i32
    %dma_start3A_54 = tpu.memref_slice %arg8[%dma_start3A_42, %dma_start3A_52, %dma_start3A_53] : memref<3x80x128xf32, #tpu.memory_space<vmem>> -> memref<1x80x128xf32, #tpu.memory_space<vmem>>
    %dma_start3A_55 = tpu.memref_squeeze %dma_start3A_54 : memref<1x80x128xf32, #tpu.memory_space<vmem>> -> memref<80x128xf32, #tpu.memory_space<vmem>>
    %dma_start3A_56 = arith.constant 0 : i32
    %dma_start3A_57 = tpu.memref_slice %arg2[%add3A_41, %dma_start3A_56] : memref<320000x128xf32, #tpu.memory_space<hbm>> -> memref<80x128xf32, #tpu.memory_space<hbm>>
    tpu.enqueue_dma source(%dma_start3A_57 : memref<80x128xf32, #tpu.memory_space<hbm>>) target(%dma_start3A_55 : memref<80x128xf32, #tpu.memory_space<vmem>>) target_semaphore(%dma_start3A_51 : memref<!tpu.dma_semaphore, #tpu.memory_space<semaphore_mem>>)
    %add3A_58 = arith.constant 2 : i32
    %add3A_59 = arith.addi %mul3A_4, %add3A_58 : i32
    %dma_start3A_60 = arith.constant 2 : i32
    %dma_start3A_61 = arith.constant 2 : i32
    %dma_start3A_62 = arith.constant 0 : i32
    %dma_start3A_63 = tpu.memref_slice %arg9[%dma_start3A_60, %dma_start3A_62] : memref<3x80xi32, #tpu.memory_space<vmem>> -> memref<1x80xi32, #tpu.memory_space<vmem>>
    %dma_start3A_64 = tpu.memref_squeeze %dma_start3A_63 : memref<1x80xi32, #tpu.memory_space<vmem>> -> memref<80xi32, #tpu.memory_space<vmem>>
    %dma_start3A_65 = arith.constant 0 : i32
    %dma_start3A_66 = tpu.memref_slice %arg3[%add3A_59, %dma_start3A_65] : memref<4000x80xi32, #tpu.memory_space<hbm>> -> memref<1x80xi32, #tpu.memory_space<hbm>>
    %dma_start3A_67 = tpu.memref_squeeze %dma_start3A_66 : memref<1x80xi32, #tpu.memory_space<hbm>> -> memref<80xi32, #tpu.memory_space<hbm>>
    %dma_start3A_68 = tpu.memref_slice %arg12[%dma_start3A_61] : memref<3x!tpu.dma_semaphore, #tpu.memory_space<semaphore_mem>> -> memref<1x!tpu.dma_semaphore, #tpu.memory_space<semaphore_mem>>
    %dma_start3A_69 = tpu.memref_squeeze %dma_start3A_68 : memref<1x!tpu.dma_semaphore, #tpu.memory_space<semaphore_mem>> -> memref<!tpu.dma_semaphore, #tpu.memory_space<semaphore_mem>>
    %dma_start3A_70 = arith.constant 0 : i32
    %dma_start3A_71 = tpu.memref_slice %arg9[%dma_start3A_60, %dma_start3A_70] : memref<3x80xi32, #tpu.memory_space<vmem>> -> memref<1x80xi32, #tpu.memory_space<vmem>>
    %dma_start3A_72 = tpu.memref_squeeze %dma_start3A_71 : memref<1x80xi32, #tpu.memory_space<vmem>> -> memref<80xi32, #tpu.memory_space<vmem>>
    %dma_start3A_73 = arith.constant 0 : i32
    %dma_start3A_74 = tpu.memref_slice %arg3[%add3A_59, %dma_start3A_73] : memref<4000x80xi32, #tpu.memory_space<hbm>> -> memref<1x80xi32, #tpu.memory_space<hbm>>
    %dma_start3A_75 = tpu.memref_squeeze %dma_start3A_74 : memref<1x80xi32, #tpu.memory_space<hbm>> -> memref<80xi32, #tpu.memory_space<hbm>>
    tpu.enqueue_dma source(%dma_start3A_75 : memref<80xi32, #tpu.memory_space<hbm>>) target(%dma_start3A_72 : memref<80xi32, #tpu.memory_space<vmem>>) target_semaphore(%dma_start3A_69 : memref<!tpu.dma_semaphore, #tpu.memory_space<semaphore_mem>>)
    %broadcast_in_dim3A = arith.constant 0.000000e+00 : f32
    %broadcast_in_dim3A_76 = vector.broadcast %broadcast_in_dim3A : f32 to vector<16xf32>
    %scan3A = arith.constant 0 : i32
    %scan3A_77 = arith.constant 0 : i32
    %scan3A_78 = arith.constant 0 : i32
    %scan3A_79 = arith.constant 640 : i32
    %scan3A_80 = arith.addi %scan3A_78, %scan3A_79 : i32
    %scan3A_81 = arith.constant 1 : i32
    scf.for %scan3A_587 = %scan3A_78 to %scan3A_80 step %scan3A_81  : i32 {
      %jit3A = arith.constant 8 : i32
      %div3A = arith.divsi %scan3A_587, %jit3A : i32
      %sign3A = arith.constant 0 : i32
      %sign3A_588 = arith.cmpi sgt, %scan3A_587, %sign3A : i32
      %sign3A_589 = arith.extui %sign3A_588 : i1 to i32
      %sign3A_590 = arith.constant 0 : i32
      %sign3A_591 = arith.cmpi slt, %scan3A_587, %sign3A_590 : i32
      %sign3A_592 = arith.extui %sign3A_591 : i1 to i32
      %sign3A_593 = arith.subi %sign3A_589, %sign3A_592 : i32
      %sign3A_594 = arith.constant 0 : i32
      %sign3A_595 = arith.cmpi sgt, %jit3A, %sign3A_594 : i32
      %sign3A_596 = arith.extui %sign3A_595 : i1 to i32
      %sign3A_597 = arith.constant 0 : i32
      %sign3A_598 = arith.cmpi slt, %jit3A, %sign3A_597 : i32
      %sign3A_599 = arith.extui %sign3A_598 : i1 to i32
      %sign3A_600 = arith.subi %sign3A_596, %sign3A_599 : i32
      %ne3A = arith.cmpi ne, %sign3A_593, %sign3A_600 : i32
      %rem3A = arith.remsi %scan3A_587, %jit3A : i32
      %ne3A_601 = arith.constant 0 : i32
      %ne3A_602 = arith.cmpi ne, %rem3A, %ne3A_601 : i32
      %and3A = arith.andi %ne3A, %ne3A_602 : i1
      %sub3A = arith.constant 1 : i32
      %sub3A_603 = arith.subi %div3A, %sub3A : i32
      %select_n3A = arith.select %and3A, %sub3A_603, %div3A : i32
      %jit3A_604 = arith.constant 8 : i32
      %eq3A_605 = arith.constant 0 : i32
      %eq3A_606 = arith.cmpi eq, %jit3A_604, %eq3A_605 : i32
      %jit3A_607 = arith.constant 1 : i32
      %select_n3A_608 = arith.select %eq3A_606, %jit3A_607, %jit3A_604 : i32
      %rem3A_609 = arith.remsi %scan3A_587, %select_n3A_608 : i32
      %ne3A_610 = arith.constant 0 : i32
      %ne3A_611 = arith.cmpi ne, %rem3A_609, %ne3A_610 : i32
      %lt3A = arith.constant 0 : i32
      %lt3A_612 = arith.cmpi slt, %rem3A_609, %lt3A : i32
      %lt3A_613 = arith.constant 0 : i32
      %lt3A_614 = arith.cmpi slt, %select_n3A_608, %lt3A_613 : i32
      %ne3A_615 = arith.xori %lt3A_612, %lt3A_614 : i1
      %and3A_616 = arith.andi %ne3A_615, %ne3A_611 : i1
      %add3A_617 = arith.addi %rem3A_609, %select_n3A_608 : i32
      %select_n3A_618 = arith.select %and3A_616, %add3A_617, %rem3A_609 : i32
      %mul3A_619 = arith.constant 16 : i32
      %mul3A_620 = arith.muli %select_n3A_618, %mul3A_619 : i32
      %swap3A = arith.constant 0 : i32
      %swap3A_621 = arith.constant 0 : i32
      %swap3A_622 = tpu.memref_slice %arg8[%scan3A_77, %swap3A, %swap3A_621] : memref<3x80x128xf32, #tpu.memory_space<vmem>> -> memref<1x80x128xf32, #tpu.memory_space<vmem>>
      %swap3A_623 = tpu.memref_squeeze %swap3A_622 : memref<1x80x128xf32, #tpu.memory_space<vmem>> -> memref<80x128xf32, #tpu.memory_space<vmem>>
      %swap3A_624 = arith.index_cast %select_n3A : i32 to index
      %swap3A_625 = arith.index_cast %mul3A_620 : i32 to index
      %swap3A_626 = tpu.vector_load %swap3A_623[%swap3A_624, %swap3A_625] {strides = array<i32>} : memref<80x128xf32, #tpu.memory_space<vmem>>, vector<1x16xf32>,
      %swap3A_627 = vector.shape_cast %swap3A_626 : vector<1x16xf32> to vector<16xf32>
      %swap3A_628 = vector.shape_cast %broadcast_in_dim3A_76 : vector<16xf32> to vector<1x16xf32>
      tpu.vector_store %swap3A_623[%swap3A_624, %swap3A_625], %swap3A_628 {strides = array<i32>} : memref<80x128xf32, #tpu.memory_space<vmem>>, vector<1x16xf32>,
    }
    %scan3A_82 = arith.constant 640 : i32
    %broadcast_in_dim3A_83 = arith.constant 0.000000e+00 : f32
    %broadcast_in_dim3A_84 = vector.broadcast %broadcast_in_dim3A_83 : f32 to vector<16xf32>
    %scan3A_85 = arith.constant 0 : i32
    %scan3A_86 = arith.constant 0 : i32
    %scan3A_87 = arith.constant 208 : i32
    %scan3A_88 = arith.addi %scan3A_86, %scan3A_87 : i32
    %scan3A_89 = arith.constant 1 : i32
    scf.for %scan3A_587 = %scan3A_86 to %scan3A_88 step %scan3A_89  : i32 {
      %jit3A = arith.constant 1 : i32
      %div3A = arith.divsi %scan3A_587, %jit3A : i32
      %sign3A = arith.constant 0 : i32
      %sign3A_588 = arith.cmpi sgt, %scan3A_587, %sign3A : i32
      %sign3A_589 = arith.extui %sign3A_588 : i1 to i32
      %sign3A_590 = arith.constant 0 : i32
      %sign3A_591 = arith.cmpi slt, %scan3A_587, %sign3A_590 : i32
      %sign3A_592 = arith.extui %sign3A_591 : i1 to i32
      %sign3A_593 = arith.subi %sign3A_589, %sign3A_592 : i32
      %sign3A_594 = arith.constant 0 : i32
      %sign3A_595 = arith.cmpi sgt, %jit3A, %sign3A_594 : i32
      %sign3A_596 = arith.extui %sign3A_595 : i1 to i32
      %sign3A_597 = arith.constant 0 : i32
      %sign3A_598 = arith.cmpi slt, %jit3A, %sign3A_597 : i32
      %sign3A_599 = arith.extui %sign3A_598 : i1 to i32
      %sign3A_600 = arith.subi %sign3A_596, %sign3A_599 : i32
      %ne3A = arith.cmpi ne, %sign3A_593, %sign3A_600 : i32
      %rem3A = arith.remsi %scan3A_587, %jit3A : i32
      %ne3A_601 = arith.constant 0 : i32
      %ne3A_602 = arith.cmpi ne, %rem3A, %ne3A_601 : i32
      %and3A = arith.andi %ne3A, %ne3A_602 : i1
      %sub3A = arith.constant 1 : i32
      %sub3A_603 = arith.subi %div3A, %sub3A : i32
      %select_n3A = arith.select %and3A, %sub3A_603, %div3A : i32
      %jit3A_604 = arith.constant 1 : i32
      %eq3A_605 = arith.constant 0 : i32
      %eq3A_606 = arith.cmpi eq, %jit3A_604, %eq3A_605 : i32
      %jit3A_607 = arith.constant 1 : i32
      %select_n3A_608 = arith.select %eq3A_606, %jit3A_607, %jit3A_604 : i32
      %rem3A_609 = arith.remsi %scan3A_587, %select_n3A_608 : i32
      %ne3A_610 = arith.constant 0 : i32
      %ne3A_611 = arith.cmpi ne, %rem3A_609, %ne3A_610 : i32
      %lt3A = arith.constant 0 : i32
      %lt3A_612 = arith.cmpi slt, %rem3A_609, %lt3A : i32
      %lt3A_613 = arith.constant 0 : i32
      %lt3A_614 = arith.cmpi slt, %select_n3A_608, %lt3A_613 : i32
      %ne3A_615 = arith.xori %lt3A_612, %lt3A_614 : i1
      %and3A_616 = arith.andi %ne3A_615, %ne3A_611 : i1
      %add3A_617 = arith.addi %rem3A_609, %select_n3A_608 : i32
      %select_n3A_618 = arith.select %and3A_616, %add3A_617, %rem3A_609 : i32
      %mul3A_619 = arith.constant 16 : i32
      %mul3A_620 = arith.muli %select_n3A_618, %mul3A_619 : i32
      %swap3A = arith.index_cast %select_n3A : i32 to index
      %swap3A_621 = arith.index_cast %mul3A_620 : i32 to index
      %swap3A_622 = tpu.vector_load %arg11[%swap3A, %swap3A_621] {strides = array<i32>} : memref<208x16xf32, #tpu.memory_space<vmem>>, vector<1x16xf32>,
      %swap3A_623 = vector.shape_cast %swap3A_622 : vector<1x16xf32> to vector<16xf32>
      %swap3A_624 = vector.shape_cast %broadcast_in_dim3A_84 : vector<16xf32> to vector<1x16xf32>
      tpu.vector_store %arg11[%swap3A, %swap3A_621], %swap3A_624 {strides = array<i32>} : memref<208x16xf32, #tpu.memory_space<vmem>>, vector<1x16xf32>,
    }
    %scan3A_90 = arith.constant 208 : i32
    %broadcast_in_dim3A_91 = arith.constant 1.000000e+00 : f32
    %broadcast_in_dim3A_92 = vector.broadcast %broadcast_in_dim3A_91 : f32 to vector<16xf32>
    %scan3A_93 = arith.constant 0 : i32
    %scan3A_94 = arith.constant 0 : i32
    %scan3A_95 = arith.constant 80 : i32
    %scan3A_96 = arith.addi %scan3A_94, %scan3A_95 : i32
    %scan3A_97 = arith.constant 1 : i32
    scf.for %scan3A_587 = %scan3A_94 to %scan3A_96 step %scan3A_97  : i32 {
      %jit3A = arith.constant 1 : i32
      %div3A = arith.divsi %scan3A_587, %jit3A : i32
      %sign3A = arith.constant 0 : i32
      %sign3A_588 = arith.cmpi sgt, %scan3A_587, %sign3A : i32
      %sign3A_589 = arith.extui %sign3A_588 : i1 to i32
      %sign3A_590 = arith.constant 0 : i32
      %sign3A_591 = arith.cmpi slt, %scan3A_587, %sign3A_590 : i32
      %sign3A_592 = arith.extui %sign3A_591 : i1 to i32
      %sign3A_593 = arith.subi %sign3A_589, %sign3A_592 : i32
      %sign3A_594 = arith.constant 0 : i32
      %sign3A_595 = arith.cmpi sgt, %jit3A, %sign3A_594 : i32
      %sign3A_596 = arith.extui %sign3A_595 : i1 to i32
      %sign3A_597 = arith.constant 0 : i32
      %sign3A_598 = arith.cmpi slt, %jit3A, %sign3A_597 : i32
      %sign3A_599 = arith.extui %sign3A_598 : i1 to i32
      %sign3A_600 = arith.subi %sign3A_596, %sign3A_599 : i32
      %ne3A = arith.cmpi ne, %sign3A_593, %sign3A_600 : i32
      %rem3A = arith.remsi %scan3A_587, %jit3A : i32
      %ne3A_601 = arith.constant 0 : i32
      %ne3A_602 = arith.cmpi ne, %rem3A, %ne3A_601 : i32
      %and3A = arith.andi %ne3A, %ne3A_602 : i1
      %sub3A = arith.constant 1 : i32
      %sub3A_603 = arith.subi %div3A, %sub3A : i32
      %select_n3A = arith.select %and3A, %sub3A_603, %div3A : i32
      %jit3A_604 = arith.constant 1 : i32
      %eq3A_605 = arith.constant 0 : i32
      %eq3A_606 = arith.cmpi eq, %jit3A_604, %eq3A_605 : i32
      %jit3A_607 = arith.constant 1 : i32
      %select_n3A_608 = arith.select %eq3A_606, %jit3A_607, %jit3A_604 : i32
      %rem3A_609 = arith.remsi %scan3A_587, %select_n3A_608 : i32
      %ne3A_610 = arith.constant 0 : i32
      %ne3A_611 = arith.cmpi ne, %rem3A_609, %ne3A_610 : i32
      %lt3A = arith.constant 0 : i32
      %lt3A_612 = arith.cmpi slt, %rem3A_609, %lt3A : i32
      %lt3A_613 = arith.constant 0 : i32
      %lt3A_614 = arith.cmpi slt, %select_n3A_608, %lt3A_613 : i32
      %ne3A_615 = arith.xori %lt3A_612, %lt3A_614 : i1
      %and3A_616 = arith.andi %ne3A_615, %ne3A_611 : i1
      %add3A_617 = arith.addi %rem3A_609, %select_n3A_608 : i32
      %select_n3A_618 = arith.select %and3A_616, %add3A_617, %rem3A_609 : i32
      %mul3A_619 = arith.constant 16 : i32
      %mul3A_620 = arith.muli %select_n3A_618, %mul3A_619 : i32
      %swap3A = arith.index_cast %select_n3A : i32 to index
      %swap3A_621 = arith.index_cast %mul3A_620 : i32 to index
      %swap3A_622 = tpu.vector_load %arg10[%swap3A, %swap3A_621] {strides = array<i32>} : memref<80x16xf32, #tpu.memory_space<vmem>>, vector<1x16xf32>,
      %swap3A_623 = vector.shape_cast %swap3A_622 : vector<1x16xf32> to vector<16xf32>
      %swap3A_624 = vector.shape_cast %broadcast_in_dim3A_92 : vector<16xf32> to vector<1x16xf32>
      tpu.vector_store %arg10[%swap3A, %swap3A_621], %swap3A_624 {strides = array<i32>} : memref<80x16xf32, #tpu.memory_space<vmem>>, vector<1x16xf32>,
    }
    %scan3A_98 = arith.constant 80 : i32
    %mul3A_99 = arith.constant 624 : i32
    %mul3A_100 = arith.muli %arg1, %mul3A_99 : i32
    %add3A_101 = arith.constant 0 : i32
    %add3A_102 = arith.addi %mul3A_100, %add3A_101 : i32
    %add3A_103 = arith.constant 80 : i32
    %add3A_104 = arith.addi %mul3A_100, %add3A_103 : i32
    %add3A_105 = arith.constant 160 : i32
    %add3A_106 = arith.addi %mul3A_100, %add3A_105 : i32
    %add3A_107 = arith.constant 240 : i32
    %add3A_108 = arith.addi %mul3A_100, %add3A_107 : i32
    %add3A_109 = arith.constant 320 : i32
    %add3A_110 = arith.addi %mul3A_100, %add3A_109 : i32
    %add3A_111 = arith.constant 400 : i32
    %add3A_112 = arith.addi %mul3A_100, %add3A_111 : i32
    %add3A_113 = arith.constant 480 : i32
    %add3A_114 = arith.addi %mul3A_100, %add3A_113 : i32
    %add3A_115 = arith.constant 560 : i32
    %add3A_116 = arith.addi %mul3A_100, %add3A_115 : i32
    %add3A_117 = arith.constant 0 : i32
    %add3A_118 = arith.addi %mul3A_100, %add3A_117 : i32
    %add3A_119 = arith.constant 208 : i32
    %add3A_120 = arith.addi %mul3A_100, %add3A_119 : i32
    %add3A_121 = arith.constant 416 : i32
    %add3A_122 = arith.addi %mul3A_100, %add3A_121 : i32
    %dma_start3A_123 = arith.constant 0 : i32
    %dma_start3A_124 = arith.constant 0 : i32
    %dma_start3A_125 = arith.constant 0 : i32
    %dma_start3A_126 = arith.constant 0 : i32
    %dma_start3A_127 = tpu.memref_slice %arg8[%dma_start3A_123, %dma_start3A_125, %dma_start3A_126] : memref<3x80x128xf32, #tpu.memory_space<vmem>> -> memref<1x80x128xf32, #tpu.memory_space<vmem>>
    %dma_start3A_128 = tpu.memref_squeeze %dma_start3A_127 : memref<1x80x128xf32, #tpu.memory_space<vmem>> -> memref<80x128xf32, #tpu.memory_space<vmem>>
    %dma_start3A_129 = arith.constant 0 : i32
    %dma_start3A_130 = tpu.memref_slice %arg6[%add3A_102, %dma_start3A_129] : memref<10000x128xf32, #tpu.memory_space<vmem_shared>> -> memref<80x128xf32, #tpu.memory_space<vmem_shared>>
    %dma_start3A_131 = tpu.memref_slice %arg13[%dma_start3A_124] : memref<3x!tpu.dma_semaphore, #tpu.memory_space<semaphore_mem>> -> memref<1x!tpu.dma_semaphore, #tpu.memory_space<semaphore_mem>>
    %dma_start3A_132 = tpu.memref_squeeze %dma_start3A_131 : memref<1x!tpu.dma_semaphore, #tpu.memory_space<semaphore_mem>> -> memref<!tpu.dma_semaphore, #tpu.memory_space<semaphore_mem>>
    %dma_start3A_133 = arith.constant 0 : i32
    %dma_start3A_134 = tpu.memref_slice %arg6[%add3A_102, %dma_start3A_133] : memref<10000x128xf32, #tpu.memory_space<vmem_shared>> -> memref<80x128xf32, #tpu.memory_space<vmem_shared>>
    %dma_start3A_135 = arith.constant 0 : i32
    %dma_start3A_136 = arith.constant 0 : i32
    %dma_start3A_137 = tpu.memref_slice %arg8[%dma_start3A_123, %dma_start3A_135, %dma_start3A_136] : memref<3x80x128xf32, #tpu.memory_space<vmem>> -> memref<1x80x128xf32, #tpu.memory_space<vmem>>
    %dma_start3A_138 = tpu.memref_squeeze %dma_start3A_137 : memref<1x80x128xf32, #tpu.memory_space<vmem>> -> memref<80x128xf32, #tpu.memory_space<vmem>>
    tpu.enqueue_dma source(%dma_start3A_138 : memref<80x128xf32, #tpu.memory_space<vmem>>) target(%dma_start3A_134 : memref<80x128xf32, #tpu.memory_space<vmem_shared>>) target_semaphore(%dma_start3A_132 : memref<!tpu.dma_semaphore, #tpu.memory_space<semaphore_mem>>)
    %dma_start3A_139 = arith.constant 0 : i32
    %dma_start3A_140 = arith.constant 0 : i32
    %dma_start3A_141 = arith.constant 0 : i32
    %dma_start3A_142 = arith.constant 0 : i32
    %dma_start3A_143 = tpu.memref_slice %arg8[%dma_start3A_139, %dma_start3A_141, %dma_start3A_142] : memref<3x80x128xf32, #tpu.memory_space<vmem>> -> memref<1x80x128xf32, #tpu.memory_space<vmem>>
    %dma_start3A_144 = tpu.memref_squeeze %dma_start3A_143 : memref<1x80x128xf32, #tpu.memory_space<vmem>> -> memref<80x128xf32, #tpu.memory_space<vmem>>
    %dma_start3A_145 = arith.constant 0 : i32
    %dma_start3A_146 = tpu.memref_slice %arg6[%add3A_104, %dma_start3A_145] : memref<10000x128xf32, #tpu.memory_space<vmem_shared>> -> memref<80x128xf32, #tpu.memory_space<vmem_shared>>
    %dma_start3A_147 = tpu.memref_slice %arg13[%dma_start3A_140] : memref<3x!tpu.dma_semaphore, #tpu.memory_space<semaphore_mem>> -> memref<1x!tpu.dma_semaphore, #tpu.memory_space<semaphore_mem>>
    %dma_start3A_148 = tpu.memref_squeeze %dma_start3A_147 : memref<1x!tpu.dma_semaphore, #tpu.memory_space<semaphore_mem>> -> memref<!tpu.dma_semaphore, #tpu.memory_space<semaphore_mem>>
    %dma_start3A_149 = arith.constant 0 : i32
    %dma_start3A_150 = tpu.memref_slice %arg6[%add3A_104, %dma_start3A_149] : memref<10000x128xf32, #tpu.memory_space<vmem_shared>> -> memref<80x128xf32, #tpu.memory_space<vmem_shared>>
    %dma_start3A_151 = arith.constant 0 : i32
    %dma_start3A_152 = arith.constant 0 : i32
    %dma_start3A_153 = tpu.memref_slice %arg8[%dma_start3A_139, %dma_start3A_151, %dma_start3A_152] : memref<3x80x128xf32, #tpu.memory_space<vmem>> -> memref<1x80x128xf32, #tpu.memory_space<vmem>>
    %dma_start3A_154 = tpu.memref_squeeze %dma_start3A_153 : memref<1x80x128xf32, #tpu.memory_space<vmem>> -> memref<80x128xf32, #tpu.memory_space<vmem>>
    tpu.enqueue_dma source(%dma_start3A_154 : memref<80x128xf32, #tpu.memory_space<vmem>>) target(%dma_start3A_150 : memref<80x128xf32, #tpu.memory_space<vmem_shared>>) target_semaphore(%dma_start3A_148 : memref<!tpu.dma_semaphore, #tpu.memory_space<semaphore_mem>>)
    %dma_start3A_155 = arith.constant 0 : i32
    %dma_start3A_156 = arith.constant 0 : i32
    %dma_start3A_157 = arith.constant 0 : i32
    %dma_start3A_158 = arith.constant 0 : i32
    %dma_start3A_159 = tpu.memref_slice %arg8[%dma_start3A_155, %dma_start3A_157, %dma_start3A_158] : memref<3x80x128xf32, #tpu.memory_space<vmem>> -> memref<1x80x128xf32, #tpu.memory_space<vmem>>
    %dma_start3A_160 = tpu.memref_squeeze %dma_start3A_159 : memref<1x80x128xf32, #tpu.memory_space<vmem>> -> memref<80x128xf32, #tpu.memory_space<vmem>>
    %dma_start3A_161 = arith.constant 0 : i32
    %dma_start3A_162 = tpu.memref_slice %arg6[%add3A_106, %dma_start3A_161] : memref<10000x128xf32, #tpu.memory_space<vmem_shared>> -> memref<80x128xf32, #tpu.memory_space<vmem_shared>>
    %dma_start3A_163 = tpu.memref_slice %arg13[%dma_start3A_156] : memref<3x!tpu.dma_semaphore, #tpu.memory_space<semaphore_mem>> -> memref<1x!tpu.dma_semaphore, #tpu.memory_space<semaphore_mem>>
    %dma_start3A_164 = tpu.memref_squeeze %dma_start3A_163 : memref<1x!tpu.dma_semaphore, #tpu.memory_space<semaphore_mem>> -> memref<!tpu.dma_semaphore, #tpu.memory_space<semaphore_mem>>
    %dma_start3A_165 = arith.constant 0 : i32
    %dma_start3A_166 = tpu.memref_slice %arg6[%add3A_106, %dma_start3A_165] : memref<10000x128xf32, #tpu.memory_space<vmem_shared>> -> memref<80x128xf32, #tpu.memory_space<vmem_shared>>
    %dma_start3A_167 = arith.constant 0 : i32
    %dma_start3A_168 = arith.constant 0 : i32
    %dma_start3A_169 = tpu.memref_slice %arg8[%dma_start3A_155, %dma_start3A_167, %dma_start3A_168] : memref<3x80x128xf32, #tpu.memory_space<vmem>> -> memref<1x80x128xf32, #tpu.memory_space<vmem>>
    %dma_start3A_170 = tpu.memref_squeeze %dma_start3A_169 : memref<1x80x128xf32, #tpu.memory_space<vmem>> -> memref<80x128xf32, #tpu.memory_space<vmem>>
    tpu.enqueue_dma source(%dma_start3A_170 : memref<80x128xf32, #tpu.memory_space<vmem>>) target(%dma_start3A_166 : memref<80x128xf32, #tpu.memory_space<vmem_shared>>) target_semaphore(%dma_start3A_164 : memref<!tpu.dma_semaphore, #tpu.memory_space<semaphore_mem>>)
    %dma_start3A_171 = arith.constant 0 : i32
    %dma_start3A_172 = arith.constant 0 : i32
    %dma_start3A_173 = arith.constant 0 : i32
    %dma_start3A_174 = arith.constant 0 : i32
    %dma_start3A_175 = tpu.memref_slice %arg8[%dma_start3A_171, %dma_start3A_173, %dma_start3A_174] : memref<3x80x128xf32, #tpu.memory_space<vmem>> -> memref<1x80x128xf32, #tpu.memory_space<vmem>>
    %dma_start3A_176 = tpu.memref_squeeze %dma_start3A_175 : memref<1x80x128xf32, #tpu.memory_space<vmem>> -> memref<80x128xf32, #tpu.memory_space<vmem>>
    %dma_start3A_177 = arith.constant 0 : i32
    %dma_start3A_178 = tpu.memref_slice %arg6[%add3A_108, %dma_start3A_177] : memref<10000x128xf32, #tpu.memory_space<vmem_shared>> -> memref<80x128xf32, #tpu.memory_space<vmem_shared>>
    %dma_start3A_179 = tpu.memref_slice %arg13[%dma_start3A_172] : memref<3x!tpu.dma_semaphore, #tpu.memory_space<semaphore_mem>> -> memref<1x!tpu.dma_semaphore, #tpu.memory_space<semaphore_mem>>
    %dma_start3A_180 = tpu.memref_squeeze %dma_start3A_179 : memref<1x!tpu.dma_semaphore, #tpu.memory_space<semaphore_mem>> -> memref<!tpu.dma_semaphore, #tpu.memory_space<semaphore_mem>>
    %dma_start3A_181 = arith.constant 0 : i32
    %dma_start3A_182 = tpu.memref_slice %arg6[%add3A_108, %dma_start3A_181] : memref<10000x128xf32, #tpu.memory_space<vmem_shared>> -> memref<80x128xf32, #tpu.memory_space<vmem_shared>>
    %dma_start3A_183 = arith.constant 0 : i32
    %dma_start3A_184 = arith.constant 0 : i32
    %dma_start3A_185 = tpu.memref_slice %arg8[%dma_start3A_171, %dma_start3A_183, %dma_start3A_184] : memref<3x80x128xf32, #tpu.memory_space<vmem>> -> memref<1x80x128xf32, #tpu.memory_space<vmem>>
    %dma_start3A_186 = tpu.memref_squeeze %dma_start3A_185 : memref<1x80x128xf32, #tpu.memory_space<vmem>> -> memref<80x128xf32, #tpu.memory_space<vmem>>
    tpu.enqueue_dma source(%dma_start3A_186 : memref<80x128xf32, #tpu.memory_space<vmem>>) target(%dma_start3A_182 : memref<80x128xf32, #tpu.memory_space<vmem_shared>>) target_semaphore(%dma_start3A_180 : memref<!tpu.dma_semaphore, #tpu.memory_space<semaphore_mem>>)
    %dma_start3A_187 = arith.constant 0 : i32
    %dma_start3A_188 = arith.constant 0 : i32
    %dma_start3A_189 = arith.constant 0 : i32
    %dma_start3A_190 = arith.constant 0 : i32
    %dma_start3A_191 = tpu.memref_slice %arg8[%dma_start3A_187, %dma_start3A_189, %dma_start3A_190] : memref<3x80x128xf32, #tpu.memory_space<vmem>> -> memref<1x80x128xf32, #tpu.memory_space<vmem>>
    %dma_start3A_192 = tpu.memref_squeeze %dma_start3A_191 : memref<1x80x128xf32, #tpu.memory_space<vmem>> -> memref<80x128xf32, #tpu.memory_space<vmem>>
    %dma_start3A_193 = arith.constant 0 : i32
    %dma_start3A_194 = tpu.memref_slice %arg6[%add3A_110, %dma_start3A_193] : memref<10000x128xf32, #tpu.memory_space<vmem_shared>> -> memref<80x128xf32, #tpu.memory_space<vmem_shared>>
    %dma_start3A_195 = tpu.memref_slice %arg13[%dma_start3A_188] : memref<3x!tpu.dma_semaphore, #tpu.memory_space<semaphore_mem>> -> memref<1x!tpu.dma_semaphore, #tpu.memory_space<semaphore_mem>>
    %dma_start3A_196 = tpu.memref_squeeze %dma_start3A_195 : memref<1x!tpu.dma_semaphore, #tpu.memory_space<semaphore_mem>> -> memref<!tpu.dma_semaphore, #tpu.memory_space<semaphore_mem>>
    %dma_start3A_197 = arith.constant 0 : i32
    %dma_start3A_198 = tpu.memref_slice %arg6[%add3A_110, %dma_start3A_197] : memref<10000x128xf32, #tpu.memory_space<vmem_shared>> -> memref<80x128xf32, #tpu.memory_space<vmem_shared>>
    %dma_start3A_199 = arith.constant 0 : i32
    %dma_start3A_200 = arith.constant 0 : i32
    %dma_start3A_201 = tpu.memref_slice %arg8[%dma_start3A_187, %dma_start3A_199, %dma_start3A_200] : memref<3x80x128xf32, #tpu.memory_space<vmem>> -> memref<1x80x128xf32, #tpu.memory_space<vmem>>
    %dma_start3A_202 = tpu.memref_squeeze %dma_start3A_201 : memref<1x80x128xf32, #tpu.memory_space<vmem>> -> memref<80x128xf32, #tpu.memory_space<vmem>>
    tpu.enqueue_dma source(%dma_start3A_202 : memref<80x128xf32, #tpu.memory_space<vmem>>) target(%dma_start3A_198 : memref<80x128xf32, #tpu.memory_space<vmem_shared>>) target_semaphore(%dma_start3A_196 : memref<!tpu.dma_semaphore, #tpu.memory_space<semaphore_mem>>)
    %dma_start3A_203 = arith.constant 0 : i32
    %dma_start3A_204 = arith.constant 0 : i32
    %dma_start3A_205 = arith.constant 0 : i32
    %dma_start3A_206 = arith.constant 0 : i32
    %dma_start3A_207 = tpu.memref_slice %arg8[%dma_start3A_203, %dma_start3A_205, %dma_start3A_206] : memref<3x80x128xf32, #tpu.memory_space<vmem>> -> memref<1x80x128xf32, #tpu.memory_space<vmem>>
    %dma_start3A_208 = tpu.memref_squeeze %dma_start3A_207 : memref<1x80x128xf32, #tpu.memory_space<vmem>> -> memref<80x128xf32, #tpu.memory_space<vmem>>
    %dma_start3A_209 = arith.constant 0 : i32
    %dma_start3A_210 = tpu.memref_slice %arg6[%add3A_112, %dma_start3A_209] : memref<10000x128xf32, #tpu.memory_space<vmem_shared>> -> memref<80x128xf32, #tpu.memory_space<vmem_shared>>
    %dma_start3A_211 = tpu.memref_slice %arg13[%dma_start3A_204] : memref<3x!tpu.dma_semaphore, #tpu.memory_space<semaphore_mem>> -> memref<1x!tpu.dma_semaphore, #tpu.memory_space<semaphore_mem>>
    %dma_start3A_212 = tpu.memref_squeeze %dma_start3A_211 : memref<1x!tpu.dma_semaphore, #tpu.memory_space<semaphore_mem>> -> memref<!tpu.dma_semaphore, #tpu.memory_space<semaphore_mem>>
    %dma_start3A_213 = arith.constant 0 : i32
    %dma_start3A_214 = tpu.memref_slice %arg6[%add3A_112, %dma_start3A_213] : memref<10000x128xf32, #tpu.memory_space<vmem_shared>> -> memref<80x128xf32, #tpu.memory_space<vmem_shared>>
    %dma_start3A_215 = arith.constant 0 : i32
    %dma_start3A_216 = arith.constant 0 : i32
    %dma_start3A_217 = tpu.memref_slice %arg8[%dma_start3A_203, %dma_start3A_215, %dma_start3A_216] : memref<3x80x128xf32, #tpu.memory_space<vmem>> -> memref<1x80x128xf32, #tpu.memory_space<vmem>>
    %dma_start3A_218 = tpu.memref_squeeze %dma_start3A_217 : memref<1x80x128xf32, #tpu.memory_space<vmem>> -> memref<80x128xf32, #tpu.memory_space<vmem>>
    tpu.enqueue_dma source(%dma_start3A_218 : memref<80x128xf32, #tpu.memory_space<vmem>>) target(%dma_start3A_214 : memref<80x128xf32, #tpu.memory_space<vmem_shared>>) target_semaphore(%dma_start3A_212 : memref<!tpu.dma_semaphore, #tpu.memory_space<semaphore_mem>>)
    %dma_start3A_219 = arith.constant 0 : i32
    %dma_start3A_220 = arith.constant 0 : i32
    %dma_start3A_221 = arith.constant 0 : i32
    %dma_start3A_222 = arith.constant 0 : i32
    %dma_start3A_223 = tpu.memref_slice %arg8[%dma_start3A_219, %dma_start3A_221, %dma_start3A_222] : memref<3x80x128xf32, #tpu.memory_space<vmem>> -> memref<1x80x128xf32, #tpu.memory_space<vmem>>
    %dma_start3A_224 = tpu.memref_squeeze %dma_start3A_223 : memref<1x80x128xf32, #tpu.memory_space<vmem>> -> memref<80x128xf32, #tpu.memory_space<vmem>>
    %dma_start3A_225 = arith.constant 0 : i32
    %dma_start3A_226 = tpu.memref_slice %arg6[%add3A_114, %dma_start3A_225] : memref<10000x128xf32, #tpu.memory_space<vmem_shared>> -> memref<80x128xf32, #tpu.memory_space<vmem_shared>>
    %dma_start3A_227 = tpu.memref_slice %arg13[%dma_start3A_220] : memref<3x!tpu.dma_semaphore, #tpu.memory_space<semaphore_mem>> -> memref<1x!tpu.dma_semaphore, #tpu.memory_space<semaphore_mem>>
    %dma_start3A_228 = tpu.memref_squeeze %dma_start3A_227 : memref<1x!tpu.dma_semaphore, #tpu.memory_space<semaphore_mem>> -> memref<!tpu.dma_semaphore, #tpu.memory_space<semaphore_mem>>
    %dma_start3A_229 = arith.constant 0 : i32
    %dma_start3A_230 = tpu.memref_slice %arg6[%add3A_114, %dma_start3A_229] : memref<10000x128xf32, #tpu.memory_space<vmem_shared>> -> memref<80x128xf32, #tpu.memory_space<vmem_shared>>
    %dma_start3A_231 = arith.constant 0 : i32
    %dma_start3A_232 = arith.constant 0 : i32
    %dma_start3A_233 = tpu.memref_slice %arg8[%dma_start3A_219, %dma_start3A_231, %dma_start3A_232] : memref<3x80x128xf32, #tpu.memory_space<vmem>> -> memref<1x80x128xf32, #tpu.memory_space<vmem>>
    %dma_start3A_234 = tpu.memref_squeeze %dma_start3A_233 : memref<1x80x128xf32, #tpu.memory_space<vmem>> -> memref<80x128xf32, #tpu.memory_space<vmem>>
    tpu.enqueue_dma source(%dma_start3A_234 : memref<80x128xf32, #tpu.memory_space<vmem>>) target(%dma_start3A_230 : memref<80x128xf32, #tpu.memory_space<vmem_shared>>) target_semaphore(%dma_start3A_228 : memref<!tpu.dma_semaphore, #tpu.memory_space<semaphore_mem>>)
    %dma_start3A_235 = arith.constant 0 : i32
    %dma_start3A_236 = arith.constant 0 : i32
    %dma_start3A_237 = arith.constant 0 : i32
    %dma_start3A_238 = arith.constant 0 : i32
    %dma_start3A_239 = tpu.memref_slice %arg8[%dma_start3A_235, %dma_start3A_237, %dma_start3A_238] : memref<3x80x128xf32, #tpu.memory_space<vmem>> -> memref<1x80x128xf32, #tpu.memory_space<vmem>>
    %dma_start3A_240 = tpu.memref_squeeze %dma_start3A_239 : memref<1x80x128xf32, #tpu.memory_space<vmem>> -> memref<80x128xf32, #tpu.memory_space<vmem>>
    %dma_start3A_241 = arith.constant 0 : i32
    %dma_start3A_242 = arith.constant 0 : i32
    %dma_start3A_243 = tpu.memref_slice %dma_start3A_240[%dma_start3A_241, %dma_start3A_242] : memref<80x128xf32, #tpu.memory_space<vmem>> -> memref<64x128xf32, #tpu.memory_space<vmem>>
    %dma_start3A_244 = arith.constant 0 : i32
    %dma_start3A_245 = tpu.memref_slice %arg6[%add3A_116, %dma_start3A_244] : memref<10000x128xf32, #tpu.memory_space<vmem_shared>> -> memref<64x128xf32, #tpu.memory_space<vmem_shared>>
    %dma_start3A_246 = tpu.memref_slice %arg13[%dma_start3A_236] : memref<3x!tpu.dma_semaphore, #tpu.memory_space<semaphore_mem>> -> memref<1x!tpu.dma_semaphore, #tpu.memory_space<semaphore_mem>>
    %dma_start3A_247 = tpu.memref_squeeze %dma_start3A_246 : memref<1x!tpu.dma_semaphore, #tpu.memory_space<semaphore_mem>> -> memref<!tpu.dma_semaphore, #tpu.memory_space<semaphore_mem>>
    %dma_start3A_248 = arith.constant 0 : i32
    %dma_start3A_249 = tpu.memref_slice %arg6[%add3A_116, %dma_start3A_248] : memref<10000x128xf32, #tpu.memory_space<vmem_shared>> -> memref<64x128xf32, #tpu.memory_space<vmem_shared>>
    %dma_start3A_250 = arith.constant 0 : i32
    %dma_start3A_251 = arith.constant 0 : i32
    %dma_start3A_252 = tpu.memref_slice %arg8[%dma_start3A_235, %dma_start3A_250, %dma_start3A_251] : memref<3x80x128xf32, #tpu.memory_space<vmem>> -> memref<1x80x128xf32, #tpu.memory_space<vmem>>
    %dma_start3A_253 = tpu.memref_squeeze %dma_start3A_252 : memref<1x80x128xf32, #tpu.memory_space<vmem>> -> memref<80x128xf32, #tpu.memory_space<vmem>>
    %dma_start3A_254 = arith.constant 0 : i32
    %dma_start3A_255 = arith.constant 0 : i32
    %dma_start3A_256 = tpu.memref_slice %dma_start3A_253[%dma_start3A_254, %dma_start3A_255] : memref<80x128xf32, #tpu.memory_space<vmem>> -> memref<64x128xf32, #tpu.memory_space<vmem>>
    tpu.enqueue_dma source(%dma_start3A_256 : memref<64x128xf32, #tpu.memory_space<vmem>>) target(%dma_start3A_249 : memref<64x128xf32, #tpu.memory_space<vmem_shared>>) target_semaphore(%dma_start3A_247 : memref<!tpu.dma_semaphore, #tpu.memory_space<semaphore_mem>>)
    %dma_start3A_257 = arith.constant 0 : i32
    %dma_start3A_258 = arith.constant 0 : i32
    %dma_start3A_259 = tpu.memref_slice %arg7[%add3A_118, %dma_start3A_258] : memref<10000x16xf32, #tpu.memory_space<vmem_shared>> -> memref<208x16xf32, #tpu.memory_space<vmem_shared>>
    %dma_start3A_260 = tpu.memref_slice %arg13[%dma_start3A_257] : memref<3x!tpu.dma_semaphore, #tpu.memory_space<semaphore_mem>> -> memref<1x!tpu.dma_semaphore, #tpu.memory_space<semaphore_mem>>
    %dma_start3A_261 = tpu.memref_squeeze %dma_start3A_260 : memref<1x!tpu.dma_semaphore, #tpu.memory_space<semaphore_mem>> -> memref<!tpu.dma_semaphore, #tpu.memory_space<semaphore_mem>>
    %dma_start3A_262 = arith.constant 0 : i32
    %dma_start3A_263 = tpu.memref_slice %arg7[%add3A_118, %dma_start3A_262] : memref<10000x16xf32, #tpu.memory_space<vmem_shared>> -> memref<208x16xf32, #tpu.memory_space<vmem_shared>>
    tpu.enqueue_dma source(%arg11 : memref<208x16xf32, #tpu.memory_space<vmem>>) target(%dma_start3A_263 : memref<208x16xf32, #tpu.memory_space<vmem_shared>>) target_semaphore(%dma_start3A_261 : memref<!tpu.dma_semaphore, #tpu.memory_space<semaphore_mem>>)
    %dma_start3A_264 = arith.constant 0 : i32
    %dma_start3A_265 = arith.constant 0 : i32
    %dma_start3A_266 = tpu.memref_slice %arg7[%add3A_120, %dma_start3A_265] : memref<10000x16xf32, #tpu.memory_space<vmem_shared>> -> memref<208x16xf32, #tpu.memory_space<vmem_shared>>
    %dma_start3A_267 = tpu.memref_slice %arg13[%dma_start3A_264] : memref<3x!tpu.dma_semaphore, #tpu.memory_space<semaphore_mem>> -> memref<1x!tpu.dma_semaphore, #tpu.memory_space<semaphore_mem>>
    %dma_start3A_268 = tpu.memref_squeeze %dma_start3A_267 : memref<1x!tpu.dma_semaphore, #tpu.memory_space<semaphore_mem>> -> memref<!tpu.dma_semaphore, #tpu.memory_space<semaphore_mem>>
    %dma_start3A_269 = arith.constant 0 : i32
    %dma_start3A_270 = tpu.memref_slice %arg7[%add3A_120, %dma_start3A_269] : memref<10000x16xf32, #tpu.memory_space<vmem_shared>> -> memref<208x16xf32, #tpu.memory_space<vmem_shared>>
    tpu.enqueue_dma source(%arg11 : memref<208x16xf32, #tpu.memory_space<vmem>>) target(%dma_start3A_270 : memref<208x16xf32, #tpu.memory_space<vmem_shared>>) target_semaphore(%dma_start3A_268 : memref<!tpu.dma_semaphore, #tpu.memory_space<semaphore_mem>>)
    %dma_start3A_271 = arith.constant 0 : i32
    %dma_start3A_272 = arith.constant 0 : i32
    %dma_start3A_273 = tpu.memref_slice %arg7[%add3A_122, %dma_start3A_272] : memref<10000x16xf32, #tpu.memory_space<vmem_shared>> -> memref<208x16xf32, #tpu.memory_space<vmem_shared>>
    %dma_start3A_274 = tpu.memref_slice %arg13[%dma_start3A_271] : memref<3x!tpu.dma_semaphore, #tpu.memory_space<semaphore_mem>> -> memref<1x!tpu.dma_semaphore, #tpu.memory_space<semaphore_mem>>
    %dma_start3A_275 = tpu.memref_squeeze %dma_start3A_274 : memref<1x!tpu.dma_semaphore, #tpu.memory_space<semaphore_mem>> -> memref<!tpu.dma_semaphore, #tpu.memory_space<semaphore_mem>>
    %dma_start3A_276 = arith.constant 0 : i32
    %dma_start3A_277 = tpu.memref_slice %arg7[%add3A_122, %dma_start3A_276] : memref<10000x16xf32, #tpu.memory_space<vmem_shared>> -> memref<208x16xf32, #tpu.memory_space<vmem_shared>>
    tpu.enqueue_dma source(%arg11 : memref<208x16xf32, #tpu.memory_space<vmem>>) target(%dma_start3A_277 : memref<208x16xf32, #tpu.memory_space<vmem_shared>>) target_semaphore(%dma_start3A_275 : memref<!tpu.dma_semaphore, #tpu.memory_space<semaphore_mem>>)
    %dma_wait3A = arith.constant 0 : i32
    %dma_wait3A_278 = arith.constant 0 : i32
    %dma_wait3A_279 = arith.constant 0 : i32
    %dma_wait3A_280 = arith.constant 0 : i32
    %dma_wait3A_281 = tpu.memref_slice %arg8[%dma_wait3A, %dma_wait3A_279, %dma_wait3A_280] : memref<3x80x128xf32, #tpu.memory_space<vmem>> -> memref<1x80x128xf32, #tpu.memory_space<vmem>>
    %dma_wait3A_282 = tpu.memref_squeeze %dma_wait3A_281 : memref<1x80x128xf32, #tpu.memory_space<vmem>> -> memref<80x128xf32, #tpu.memory_space<vmem>>
    %dma_wait3A_283 = arith.constant 0 : i32
    %dma_wait3A_284 = tpu.memref_slice %arg6[%add3A_102, %dma_wait3A_283] : memref<10000x128xf32, #tpu.memory_space<vmem_shared>> -> memref<80x128xf32, #tpu.memory_space<vmem_shared>>
    %dma_wait3A_285 = tpu.memref_slice %arg13[%dma_wait3A_278] : memref<3x!tpu.dma_semaphore, #tpu.memory_space<semaphore_mem>> -> memref<1x!tpu.dma_semaphore, #tpu.memory_space<semaphore_mem>>
    %dma_wait3A_286 = tpu.memref_squeeze %dma_wait3A_285 : memref<1x!tpu.dma_semaphore, #tpu.memory_space<semaphore_mem>> -> memref<!tpu.dma_semaphore, #tpu.memory_space<semaphore_mem>>
    %dma_wait3A_287 = arith.constant 0 : i32
    %dma_wait3A_288 = tpu.memref_slice %arg6[%add3A_102, %dma_wait3A_287] : memref<10000x128xf32, #tpu.memory_space<vmem_shared>> -> memref<80x128xf32, #tpu.memory_space<vmem_shared>>
    %dma_wait3A_289 = arith.constant 0 : i32
    %dma_wait3A_290 = arith.constant 0 : i32
    %dma_wait3A_291 = tpu.memref_slice %arg8[%dma_wait3A, %dma_wait3A_289, %dma_wait3A_290] : memref<3x80x128xf32, #tpu.memory_space<vmem>> -> memref<1x80x128xf32, #tpu.memory_space<vmem>>
    %dma_wait3A_292 = tpu.memref_squeeze %dma_wait3A_291 : memref<1x80x128xf32, #tpu.memory_space<vmem>> -> memref<80x128xf32, #tpu.memory_space<vmem>>
    tpu.wait_dma2 semaphore(%dma_wait3A_286 : memref<!tpu.dma_semaphore, #tpu.memory_space<semaphore_mem>>) src(%dma_wait3A_292 : memref<80x128xf32, #tpu.memory_space<vmem>>) dst(%dma_wait3A_288 : memref<80x128xf32, #tpu.memory_space<vmem_shared>>)
    %dma_wait3A_293 = arith.constant 0 : i32
    %dma_wait3A_294 = arith.constant 0 : i32
    %dma_wait3A_295 = arith.constant 0 : i32
    %dma_wait3A_296 = arith.constant 0 : i32
    %dma_wait3A_297 = tpu.memref_slice %arg8[%dma_wait3A_293, %dma_wait3A_295, %dma_wait3A_296] : memref<3x80x128xf32, #tpu.memory_space<vmem>> -> memref<1x80x128xf32, #tpu.memory_space<vmem>>
    %dma_wait3A_298 = tpu.memref_squeeze %dma_wait3A_297 : memref<1x80x128xf32, #tpu.memory_space<vmem>> -> memref<80x128xf32, #tpu.memory_space<vmem>>
    %dma_wait3A_299 = arith.constant 0 : i32
    %dma_wait3A_300 = tpu.memref_slice %arg6[%add3A_104, %dma_wait3A_299] : memref<10000x128xf32, #tpu.memory_space<vmem_shared>> -> memref<80x128xf32, #tpu.memory_space<vmem_shared>>
    %dma_wait3A_301 = tpu.memref_slice %arg13[%dma_wait3A_294] : memref<3x!tpu.dma_semaphore, #tpu.memory_space<semaphore_mem>> -> memref<1x!tpu.dma_semaphore, #tpu.memory_space<semaphore_mem>>
    %dma_wait3A_302 = tpu.memref_squeeze %dma_wait3A_301 : memref<1x!tpu.dma_semaphore, #tpu.memory_space<semaphore_mem>> -> memref<!tpu.dma_semaphore, #tpu.memory_space<semaphore_mem>>
    %dma_wait3A_303 = arith.constant 0 : i32
    %dma_wait3A_304 = tpu.memref_slice %arg6[%add3A_104, %dma_wait3A_303] : memref<10000x128xf32, #tpu.memory_space<vmem_shared>> -> memref<80x128xf32, #tpu.memory_space<vmem_shared>>
    %dma_wait3A_305 = arith.constant 0 : i32
    %dma_wait3A_306 = arith.constant 0 : i32
    %dma_wait3A_307 = tpu.memref_slice %arg8[%dma_wait3A_293, %dma_wait3A_305, %dma_wait3A_306] : memref<3x80x128xf32, #tpu.memory_space<vmem>> -> memref<1x80x128xf32, #tpu.memory_space<vmem>>
    %dma_wait3A_308 = tpu.memref_squeeze %dma_wait3A_307 : memref<1x80x128xf32, #tpu.memory_space<vmem>> -> memref<80x128xf32, #tpu.memory_space<vmem>>
    tpu.wait_dma2 semaphore(%dma_wait3A_302 : memref<!tpu.dma_semaphore, #tpu.memory_space<semaphore_mem>>) src(%dma_wait3A_308 : memref<80x128xf32, #tpu.memory_space<vmem>>) dst(%dma_wait3A_304 : memref<80x128xf32, #tpu.memory_space<vmem_shared>>)
    %dma_wait3A_309 = arith.constant 0 : i32
    %dma_wait3A_310 = arith.constant 0 : i32
    %dma_wait3A_311 = arith.constant 0 : i32
    %dma_wait3A_312 = arith.constant 0 : i32
    %dma_wait3A_313 = tpu.memref_slice %arg8[%dma_wait3A_309, %dma_wait3A_311, %dma_wait3A_312] : memref<3x80x128xf32, #tpu.memory_space<vmem>> -> memref<1x80x128xf32, #tpu.memory_space<vmem>>
    %dma_wait3A_314 = tpu.memref_squeeze %dma_wait3A_313 : memref<1x80x128xf32, #tpu.memory_space<vmem>> -> memref<80x128xf32, #tpu.memory_space<vmem>>
    %dma_wait3A_315 = arith.constant 0 : i32
    %dma_wait3A_316 = tpu.memref_slice %arg6[%add3A_106, %dma_wait3A_315] : memref<10000x128xf32, #tpu.memory_space<vmem_shared>> -> memref<80x128xf32, #tpu.memory_space<vmem_shared>>
    %dma_wait3A_317 = tpu.memref_slice %arg13[%dma_wait3A_310] : memref<3x!tpu.dma_semaphore, #tpu.memory_space<semaphore_mem>> -> memref<1x!tpu.dma_semaphore, #tpu.memory_space<semaphore_mem>>
    %dma_wait3A_318 = tpu.memref_squeeze %dma_wait3A_317 : memref<1x!tpu.dma_semaphore, #tpu.memory_space<semaphore_mem>> -> memref<!tpu.dma_semaphore, #tpu.memory_space<semaphore_mem>>
    %dma_wait3A_319 = arith.constant 0 : i32
    %dma_wait3A_320 = tpu.memref_slice %arg6[%add3A_106, %dma_wait3A_319] : memref<10000x128xf32, #tpu.memory_space<vmem_shared>> -> memref<80x128xf32, #tpu.memory_space<vmem_shared>>
    %dma_wait3A_321 = arith.constant 0 : i32
    %dma_wait3A_322 = arith.constant 0 : i32
    %dma_wait3A_323 = tpu.memref_slice %arg8[%dma_wait3A_309, %dma_wait3A_321, %dma_wait3A_322] : memref<3x80x128xf32, #tpu.memory_space<vmem>> -> memref<1x80x128xf32, #tpu.memory_space<vmem>>
    %dma_wait3A_324 = tpu.memref_squeeze %dma_wait3A_323 : memref<1x80x128xf32, #tpu.memory_space<vmem>> -> memref<80x128xf32, #tpu.memory_space<vmem>>
    tpu.wait_dma2 semaphore(%dma_wait3A_318 : memref<!tpu.dma_semaphore, #tpu.memory_space<semaphore_mem>>) src(%dma_wait3A_324 : memref<80x128xf32, #tpu.memory_space<vmem>>) dst(%dma_wait3A_320 : memref<80x128xf32, #tpu.memory_space<vmem_shared>>)
    %dma_wait3A_325 = arith.constant 0 : i32
    %dma_wait3A_326 = arith.constant 0 : i32
    %dma_wait3A_327 = arith.constant 0 : i32
    %dma_wait3A_328 = arith.constant 0 : i32
    %dma_wait3A_329 = tpu.memref_slice %arg8[%dma_wait3A_325, %dma_wait3A_327, %dma_wait3A_328] : memref<3x80x128xf32, #tpu.memory_space<vmem>> -> memref<1x80x128xf32, #tpu.memory_space<vmem>>
    %dma_wait3A_330 = tpu.memref_squeeze %dma_wait3A_329 : memref<1x80x128xf32, #tpu.memory_space<vmem>> -> memref<80x128xf32, #tpu.memory_space<vmem>>
    %dma_wait3A_331 = arith.constant 0 : i32
    %dma_wait3A_332 = tpu.memref_slice %arg6[%add3A_108, %dma_wait3A_331] : memref<10000x128xf32, #tpu.memory_space<vmem_shared>> -> memref<80x128xf32, #tpu.memory_space<vmem_shared>>
    %dma_wait3A_333 = tpu.memref_slice %arg13[%dma_wait3A_326] : memref<3x!tpu.dma_semaphore, #tpu.memory_space<semaphore_mem>> -> memref<1x!tpu.dma_semaphore, #tpu.memory_space<semaphore_mem>>
    %dma_wait3A_334 = tpu.memref_squeeze %dma_wait3A_333 : memref<1x!tpu.dma_semaphore, #tpu.memory_space<semaphore_mem>> -> memref<!tpu.dma_semaphore, #tpu.memory_space<semaphore_mem>>
    %dma_wait3A_335 = arith.constant 0 : i32
    %dma_wait3A_336 = tpu.memref_slice %arg6[%add3A_108, %dma_wait3A_335] : memref<10000x128xf32, #tpu.memory_space<vmem_shared>> -> memref<80x128xf32, #tpu.memory_space<vmem_shared>>
    %dma_wait3A_337 = arith.constant 0 : i32
    %dma_wait3A_338 = arith.constant 0 : i32
    %dma_wait3A_339 = tpu.memref_slice %arg8[%dma_wait3A_325, %dma_wait3A_337, %dma_wait3A_338] : memref<3x80x128xf32, #tpu.memory_space<vmem>> -> memref<1x80x128xf32, #tpu.memory_space<vmem>>
    %dma_wait3A_340 = tpu.memref_squeeze %dma_wait3A_339 : memref<1x80x128xf32, #tpu.memory_space<vmem>> -> memref<80x128xf32, #tpu.memory_space<vmem>>
    tpu.wait_dma2 semaphore(%dma_wait3A_334 : memref<!tpu.dma_semaphore, #tpu.memory_space<semaphore_mem>>) src(%dma_wait3A_340 : memref<80x128xf32, #tpu.memory_space<vmem>>) dst(%dma_wait3A_336 : memref<80x128xf32, #tpu.memory_space<vmem_shared>>)
    %dma_wait3A_341 = arith.constant 0 : i32
    %dma_wait3A_342 = arith.constant 0 : i32
    %dma_wait3A_343 = arith.constant 0 : i32
    %dma_wait3A_344 = arith.constant 0 : i32
    %dma_wait3A_345 = tpu.memref_slice %arg8[%dma_wait3A_341, %dma_wait3A_343, %dma_wait3A_344] : memref<3x80x128xf32, #tpu.memory_space<vmem>> -> memref<1x80x128xf32, #tpu.memory_space<vmem>>
    %dma_wait3A_346 = tpu.memref_squeeze %dma_wait3A_345 : memref<1x80x128xf32, #tpu.memory_space<vmem>> -> memref<80x128xf32, #tpu.memory_space<vmem>>
    %dma_wait3A_347 = arith.constant 0 : i32
    %dma_wait3A_348 = tpu.memref_slice %arg6[%add3A_110, %dma_wait3A_347] : memref<10000x128xf32, #tpu.memory_space<vmem_shared>> -> memref<80x128xf32, #tpu.memory_space<vmem_shared>>
    %dma_wait3A_349 = tpu.memref_slice %arg13[%dma_wait3A_342] : memref<3x!tpu.dma_semaphore, #tpu.memory_space<semaphore_mem>> -> memref<1x!tpu.dma_semaphore, #tpu.memory_space<semaphore_mem>>
    %dma_wait3A_350 = tpu.memref_squeeze %dma_wait3A_349 : memref<1x!tpu.dma_semaphore, #tpu.memory_space<semaphore_mem>> -> memref<!tpu.dma_semaphore, #tpu.memory_space<semaphore_mem>>
    %dma_wait3A_351 = arith.constant 0 : i32
    %dma_wait3A_352 = tpu.memref_slice %arg6[%add3A_110, %dma_wait3A_351] : memref<10000x128xf32, #tpu.memory_space<vmem_shared>> -> memref<80x128xf32, #tpu.memory_space<vmem_shared>>
    %dma_wait3A_353 = arith.constant 0 : i32
    %dma_wait3A_354 = arith.constant 0 : i32
    %dma_wait3A_355 = tpu.memref_slice %arg8[%dma_wait3A_341, %dma_wait3A_353, %dma_wait3A_354] : memref<3x80x128xf32, #tpu.memory_space<vmem>> -> memref<1x80x128xf32, #tpu.memory_space<vmem>>
    %dma_wait3A_356 = tpu.memref_squeeze %dma_wait3A_355 : memref<1x80x128xf32, #tpu.memory_space<vmem>> -> memref<80x128xf32, #tpu.memory_space<vmem>>
    tpu.wait_dma2 semaphore(%dma_wait3A_350 : memref<!tpu.dma_semaphore, #tpu.memory_space<semaphore_mem>>) src(%dma_wait3A_356 : memref<80x128xf32, #tpu.memory_space<vmem>>) dst(%dma_wait3A_352 : memref<80x128xf32, #tpu.memory_space<vmem_shared>>)
    %dma_wait3A_357 = arith.constant 0 : i32
    %dma_wait3A_358 = arith.constant 0 : i32
    %dma_wait3A_359 = arith.constant 0 : i32
    %dma_wait3A_360 = arith.constant 0 : i32
    %dma_wait3A_361 = tpu.memref_slice %arg8[%dma_wait3A_357, %dma_wait3A_359, %dma_wait3A_360] : memref<3x80x128xf32, #tpu.memory_space<vmem>> -> memref<1x80x128xf32, #tpu.memory_space<vmem>>
    %dma_wait3A_362 = tpu.memref_squeeze %dma_wait3A_361 : memref<1x80x128xf32, #tpu.memory_space<vmem>> -> memref<80x128xf32, #tpu.memory_space<vmem>>
    %dma_wait3A_363 = arith.constant 0 : i32
    %dma_wait3A_364 = tpu.memref_slice %arg6[%add3A_112, %dma_wait3A_363] : memref<10000x128xf32, #tpu.memory_space<vmem_shared>> -> memref<80x128xf32, #tpu.memory_space<vmem_shared>>
    %dma_wait3A_365 = tpu.memref_slice %arg13[%dma_wait3A_358] : memref<3x!tpu.dma_semaphore, #tpu.memory_space<semaphore_mem>> -> memref<1x!tpu.dma_semaphore, #tpu.memory_space<semaphore_mem>>
    %dma_wait3A_366 = tpu.memref_squeeze %dma_wait3A_365 : memref<1x!tpu.dma_semaphore, #tpu.memory_space<semaphore_mem>> -> memref<!tpu.dma_semaphore, #tpu.memory_space<semaphore_mem>>
    %dma_wait3A_367 = arith.constant 0 : i32
    %dma_wait3A_368 = tpu.memref_slice %arg6[%add3A_112, %dma_wait3A_367] : memref<10000x128xf32, #tpu.memory_space<vmem_shared>> -> memref<80x128xf32, #tpu.memory_space<vmem_shared>>
    %dma_wait3A_369 = arith.constant 0 : i32
    %dma_wait3A_370 = arith.constant 0 : i32
    %dma_wait3A_371 = tpu.memref_slice %arg8[%dma_wait3A_357, %dma_wait3A_369, %dma_wait3A_370] : memref<3x80x128xf32, #tpu.memory_space<vmem>> -> memref<1x80x128xf32, #tpu.memory_space<vmem>>
    %dma_wait3A_372 = tpu.memref_squeeze %dma_wait3A_371 : memref<1x80x128xf32, #tpu.memory_space<vmem>> -> memref<80x128xf32, #tpu.memory_space<vmem>>
    tpu.wait_dma2 semaphore(%dma_wait3A_366 : memref<!tpu.dma_semaphore, #tpu.memory_space<semaphore_mem>>) src(%dma_wait3A_372 : memref<80x128xf32, #tpu.memory_space<vmem>>) dst(%dma_wait3A_368 : memref<80x128xf32, #tpu.memory_space<vmem_shared>>)
    %dma_wait3A_373 = arith.constant 0 : i32
    %dma_wait3A_374 = arith.constant 0 : i32
    %dma_wait3A_375 = arith.constant 0 : i32
    %dma_wait3A_376 = arith.constant 0 : i32
    %dma_wait3A_377 = tpu.memref_slice %arg8[%dma_wait3A_373, %dma_wait3A_375, %dma_wait3A_376] : memref<3x80x128xf32, #tpu.memory_space<vmem>> -> memref<1x80x128xf32, #tpu.memory_space<vmem>>
    %dma_wait3A_378 = tpu.memref_squeeze %dma_wait3A_377 : memref<1x80x128xf32, #tpu.memory_space<vmem>> -> memref<80x128xf32, #tpu.memory_space<vmem>>
    %dma_wait3A_379 = arith.constant 0 : i32
    %dma_wait3A_380 = tpu.memref_slice %arg6[%add3A_114, %dma_wait3A_379] : memref<10000x128xf32, #tpu.memory_space<vmem_shared>> -> memref<80x128xf32, #tpu.memory_space<vmem_shared>>
    %dma_wait3A_381 = tpu.memref_slice %arg13[%dma_wait3A_374] : memref<3x!tpu.dma_semaphore, #tpu.memory_space<semaphore_mem>> -> memref<1x!tpu.dma_semaphore, #tpu.memory_space<semaphore_mem>>
    %dma_wait3A_382 = tpu.memref_squeeze %dma_wait3A_381 : memref<1x!tpu.dma_semaphore, #tpu.memory_space<semaphore_mem>> -> memref<!tpu.dma_semaphore, #tpu.memory_space<semaphore_mem>>
    %dma_wait3A_383 = arith.constant 0 : i32
    %dma_wait3A_384 = tpu.memref_slice %arg6[%add3A_114, %dma_wait3A_383] : memref<10000x128xf32, #tpu.memory_space<vmem_shared>> -> memref<80x128xf32, #tpu.memory_space<vmem_shared>>
    %dma_wait3A_385 = arith.constant 0 : i32
    %dma_wait3A_386 = arith.constant 0 : i32
    %dma_wait3A_387 = tpu.memref_slice %arg8[%dma_wait3A_373, %dma_wait3A_385, %dma_wait3A_386] : memref<3x80x128xf32, #tpu.memory_space<vmem>> -> memref<1x80x128xf32, #tpu.memory_space<vmem>>
    %dma_wait3A_388 = tpu.memref_squeeze %dma_wait3A_387 : memref<1x80x128xf32, #tpu.memory_space<vmem>> -> memref<80x128xf32, #tpu.memory_space<vmem>>
    tpu.wait_dma2 semaphore(%dma_wait3A_382 : memref<!tpu.dma_semaphore, #tpu.memory_space<semaphore_mem>>) src(%dma_wait3A_388 : memref<80x128xf32, #tpu.memory_space<vmem>>) dst(%dma_wait3A_384 : memref<80x128xf32, #tpu.memory_space<vmem_shared>>)
    %dma_wait3A_389 = arith.constant 0 : i32
    %dma_wait3A_390 = arith.constant 0 : i32
    %dma_wait3A_391 = arith.constant 0 : i32
    %dma_wait3A_392 = arith.constant 0 : i32
    %dma_wait3A_393 = tpu.memref_slice %arg8[%dma_wait3A_389, %dma_wait3A_391, %dma_wait3A_392] : memref<3x80x128xf32, #tpu.memory_space<vmem>> -> memref<1x80x128xf32, #tpu.memory_space<vmem>>
    %dma_wait3A_394 = tpu.memref_squeeze %dma_wait3A_393 : memref<1x80x128xf32, #tpu.memory_space<vmem>> -> memref<80x128xf32, #tpu.memory_space<vmem>>
    %dma_wait3A_395 = arith.constant 0 : i32
    %dma_wait3A_396 = arith.constant 0 : i32
    %dma_wait3A_397 = tpu.memref_slice %dma_wait3A_394[%dma_wait3A_395, %dma_wait3A_396] : memref<80x128xf32, #tpu.memory_space<vmem>> -> memref<64x128xf32, #tpu.memory_space<vmem>>
    %dma_wait3A_398 = arith.constant 0 : i32
    %dma_wait3A_399 = tpu.memref_slice %arg6[%add3A_116, %dma_wait3A_398] : memref<10000x128xf32, #tpu.memory_space<vmem_shared>> -> memref<64x128xf32, #tpu.memory_space<vmem_shared>>
    %dma_wait3A_400 = tpu.memref_slice %arg13[%dma_wait3A_390] : memref<3x!tpu.dma_semaphore, #tpu.memory_space<semaphore_mem>> -> memref<1x!tpu.dma_semaphore, #tpu.memory_space<semaphore_mem>>
    %dma_wait3A_401 = tpu.memref_squeeze %dma_wait3A_400 : memref<1x!tpu.dma_semaphore, #tpu.memory_space<semaphore_mem>> -> memref<!tpu.dma_semaphore, #tpu.memory_space<semaphore_mem>>
    %dma_wait3A_402 = arith.constant 0 : i32
    %dma_wait3A_403 = tpu.memref_slice %arg6[%add3A_116, %dma_wait3A_402] : memref<10000x128xf32, #tpu.memory_space<vmem_shared>> -> memref<64x128xf32, #tpu.memory_space<vmem_shared>>
    %dma_wait3A_404 = arith.constant 0 : i32
    %dma_wait3A_405 = arith.constant 0 : i32
    %dma_wait3A_406 = tpu.memref_slice %arg8[%dma_wait3A_389, %dma_wait3A_404, %dma_wait3A_405] : memref<3x80x128xf32, #tpu.memory_space<vmem>> -> memref<1x80x128xf32, #tpu.memory_space<vmem>>
    %dma_wait3A_407 = tpu.memref_squeeze %dma_wait3A_406 : memref<1x80x128xf32, #tpu.memory_space<vmem>> -> memref<80x128xf32, #tpu.memory_space<vmem>>
    %dma_wait3A_408 = arith.constant 0 : i32
    %dma_wait3A_409 = arith.constant 0 : i32
    %dma_wait3A_410 = tpu.memref_slice %dma_wait3A_407[%dma_wait3A_408, %dma_wait3A_409] : memref<80x128xf32, #tpu.memory_space<vmem>> -> memref<64x128xf32, #tpu.memory_space<vmem>>
    tpu.wait_dma2 semaphore(%dma_wait3A_401 : memref<!tpu.dma_semaphore, #tpu.memory_space<semaphore_mem>>) src(%dma_wait3A_410 : memref<64x128xf32, #tpu.memory_space<vmem>>) dst(%dma_wait3A_403 : memref<64x128xf32, #tpu.memory_space<vmem_shared>>)
    %dma_wait3A_411 = arith.constant 0 : i32
    %dma_wait3A_412 = arith.constant 0 : i32
    %dma_wait3A_413 = tpu.memref_slice %arg7[%add3A_118, %dma_wait3A_412] : memref<10000x16xf32, #tpu.memory_space<vmem_shared>> -> memref<208x16xf32, #tpu.memory_space<vmem_shared>>
    %dma_wait3A_414 = tpu.memref_slice %arg13[%dma_wait3A_411] : memref<3x!tpu.dma_semaphore, #tpu.memory_space<semaphore_mem>> -> memref<1x!tpu.dma_semaphore, #tpu.memory_space<semaphore_mem>>
    %dma_wait3A_415 = tpu.memref_squeeze %dma_wait3A_414 : memref<1x!tpu.dma_semaphore, #tpu.memory_space<semaphore_mem>> -> memref<!tpu.dma_semaphore, #tpu.memory_space<semaphore_mem>>
    %dma_wait3A_416 = arith.constant 0 : i32
    %dma_wait3A_417 = tpu.memref_slice %arg7[%add3A_118, %dma_wait3A_416] : memref<10000x16xf32, #tpu.memory_space<vmem_shared>> -> memref<208x16xf32, #tpu.memory_space<vmem_shared>>
    tpu.wait_dma2 semaphore(%dma_wait3A_415 : memref<!tpu.dma_semaphore, #tpu.memory_space<semaphore_mem>>) src(%arg11 : memref<208x16xf32, #tpu.memory_space<vmem>>) dst(%dma_wait3A_417 : memref<208x16xf32, #tpu.memory_space<vmem_shared>>)
    %dma_wait3A_418 = arith.constant 0 : i32
    %dma_wait3A_419 = arith.constant 0 : i32
    %dma_wait3A_420 = tpu.memref_slice %arg7[%add3A_120, %dma_wait3A_419] : memref<10000x16xf32, #tpu.memory_space<vmem_shared>> -> memref<208x16xf32, #tpu.memory_space<vmem_shared>>
    %dma_wait3A_421 = tpu.memref_slice %arg13[%dma_wait3A_418] : memref<3x!tpu.dma_semaphore, #tpu.memory_space<semaphore_mem>> -> memref<1x!tpu.dma_semaphore, #tpu.memory_space<semaphore_mem>>
    %dma_wait3A_422 = tpu.memref_squeeze %dma_wait3A_421 : memref<1x!tpu.dma_semaphore, #tpu.memory_space<semaphore_mem>> -> memref<!tpu.dma_semaphore, #tpu.memory_space<semaphore_mem>>
    %dma_wait3A_423 = arith.constant 0 : i32
    %dma_wait3A_424 = tpu.memref_slice %arg7[%add3A_120, %dma_wait3A_423] : memref<10000x16xf32, #tpu.memory_space<vmem_shared>> -> memref<208x16xf32, #tpu.memory_space<vmem_shared>>
    tpu.wait_dma2 semaphore(%dma_wait3A_422 : memref<!tpu.dma_semaphore, #tpu.memory_space<semaphore_mem>>) src(%arg11 : memref<208x16xf32, #tpu.memory_space<vmem>>) dst(%dma_wait3A_424 : memref<208x16xf32, #tpu.memory_space<vmem_shared>>)
    %dma_wait3A_425 = arith.constant 0 : i32
    %dma_wait3A_426 = arith.constant 0 : i32
    %dma_wait3A_427 = tpu.memref_slice %arg7[%add3A_122, %dma_wait3A_426] : memref<10000x16xf32, #tpu.memory_space<vmem_shared>> -> memref<208x16xf32, #tpu.memory_space<vmem_shared>>
    %dma_wait3A_428 = tpu.memref_slice %arg13[%dma_wait3A_425] : memref<3x!tpu.dma_semaphore, #tpu.memory_space<semaphore_mem>> -> memref<1x!tpu.dma_semaphore, #tpu.memory_space<semaphore_mem>>
    %dma_wait3A_429 = tpu.memref_squeeze %dma_wait3A_428 : memref<1x!tpu.dma_semaphore, #tpu.memory_space<semaphore_mem>> -> memref<!tpu.dma_semaphore, #tpu.memory_space<semaphore_mem>>
    %dma_wait3A_430 = arith.constant 0 : i32
    %dma_wait3A_431 = tpu.memref_slice %arg7[%add3A_122, %dma_wait3A_430] : memref<10000x16xf32, #tpu.memory_space<vmem_shared>> -> memref<208x16xf32, #tpu.memory_space<vmem_shared>>
    tpu.wait_dma2 semaphore(%dma_wait3A_429 : memref<!tpu.dma_semaphore, #tpu.memory_space<semaphore_mem>>) src(%arg11 : memref<208x16xf32, #tpu.memory_space<vmem>>) dst(%dma_wait3A_431 : memref<208x16xf32, #tpu.memory_space<vmem_shared>>)
    %eq3A = arith.constant 0 : i32
    %eq3A_432 = arith.cmpi eq, %arg1, %eq3A : i32
    %convert_element_type3A = arith.extui %eq3A_432 : i1 to i32
    %cond3A = arith.constant 0 : i32
    %cond3A_433 = arith.cmpi ne, %convert_element_type3A, %cond3A : i32
    scf.if %cond3A_433 {
      %run_scoped3A_587 = arith.constant 0 : i32
      "tpu.region"() ({
        %run_scoped3A_588 = tpu.sem_alloc : memref<!tpu.dma_semaphore, #tpu.memory_space<semaphore_mem>>
        %dma_start3A_589 = arith.constant 0 : i32
        %dma_start3A_590 = arith.constant 0 : i32
        %dma_start3A_591 = tpu.memref_slice %arg8[%run_scoped3A_587, %dma_start3A_589, %dma_start3A_590] : memref<3x80x128xf32, #tpu.memory_space<vmem>> -> memref<1x80x128xf32, #tpu.memory_space<vmem>>
        %dma_start3A_592 = tpu.memref_squeeze %dma_start3A_591 : memref<1x80x128xf32, #tpu.memory_space<vmem>> -> memref<80x128xf32, #tpu.memory_space<vmem>>
        %dma_start3A_593 = arith.constant 0 : i32
        %dma_start3A_594 = arith.constant 0 : i32
        %dma_start3A_595 = tpu.memref_slice %dma_start3A_592[%dma_start3A_593, %dma_start3A_594] : memref<80x128xf32, #tpu.memory_space<vmem>> -> memref<16x128xf32, #tpu.memory_space<vmem>>
        %dma_start3A_596 = arith.constant 9984 : i32
        %dma_start3A_597 = arith.constant 0 : i32
        %dma_start3A_598 = tpu.memref_slice %arg6[%dma_start3A_596, %dma_start3A_597] : memref<10000x128xf32, #tpu.memory_space<vmem_shared>> -> memref<16x128xf32, #tpu.memory_space<vmem_shared>>
        %dma_start3A_599 = arith.constant 9984 : i32
        %dma_start3A_600 = arith.constant 0 : i32
        %dma_start3A_601 = tpu.memref_slice %arg6[%dma_start3A_599, %dma_start3A_600] : memref<10000x128xf32, #tpu.memory_space<vmem_shared>> -> memref<16x128xf32, #tpu.memory_space<vmem_shared>>
        %dma_start3A_602 = arith.constant 0 : i32
        %dma_start3A_603 = arith.constant 0 : i32
        %dma_start3A_604 = tpu.memref_slice %arg8[%run_scoped3A_587, %dma_start3A_602, %dma_start3A_603] : memref<3x80x128xf32, #tpu.memory_space<vmem>> -> memref<1x80x128xf32, #tpu.memory_space<vmem>>
        %dma_start3A_605 = tpu.memref_squeeze %dma_start3A_604 : memref<1x80x128xf32, #tpu.memory_space<vmem>> -> memref<80x128xf32, #tpu.memory_space<vmem>>
        %dma_start3A_606 = arith.constant 0 : i32
        %dma_start3A_607 = arith.constant 0 : i32
        %dma_start3A_608 = tpu.memref_slice %dma_start3A_605[%dma_start3A_606, %dma_start3A_607] : memref<80x128xf32, #tpu.memory_space<vmem>> -> memref<16x128xf32, #tpu.memory_space<vmem>>
        tpu.enqueue_dma source(%dma_start3A_608 : memref<16x128xf32, #tpu.memory_space<vmem>>) target(%dma_start3A_601 : memref<16x128xf32, #tpu.memory_space<vmem_shared>>) target_semaphore(%run_scoped3A_588 : memref<!tpu.dma_semaphore, #tpu.memory_space<semaphore_mem>>)
        %dma_wait3A_609 = arith.constant 0 : i32
        %dma_wait3A_610 = arith.constant 0 : i32
        %dma_wait3A_611 = tpu.memref_slice %arg8[%run_scoped3A_587, %dma_wait3A_609, %dma_wait3A_610] : memref<3x80x128xf32, #tpu.memory_space<vmem>> -> memref<1x80x128xf32, #tpu.memory_space<vmem>>
        %dma_wait3A_612 = tpu.memref_squeeze %dma_wait3A_611 : memref<1x80x128xf32, #tpu.memory_space<vmem>> -> memref<80x128xf32, #tpu.memory_space<vmem>>
        %dma_wait3A_613 = arith.constant 0 : i32
        %dma_wait3A_614 = arith.constant 0 : i32
        %dma_wait3A_615 = tpu.memref_slice %dma_wait3A_612[%dma_wait3A_613, %dma_wait3A_614] : memref<80x128xf32, #tpu.memory_space<vmem>> -> memref<16x128xf32, #tpu.memory_space<vmem>>
        %dma_wait3A_616 = arith.constant 9984 : i32
        %dma_wait3A_617 = arith.constant 0 : i32
        %dma_wait3A_618 = tpu.memref_slice %arg6[%dma_wait3A_616, %dma_wait3A_617] : memref<10000x128xf32, #tpu.memory_space<vmem_shared>> -> memref<16x128xf32, #tpu.memory_space<vmem_shared>>
        %dma_wait3A_619 = arith.constant 9984 : i32
        %dma_wait3A_620 = arith.constant 0 : i32
        %dma_wait3A_621 = tpu.memref_slice %arg6[%dma_wait3A_619, %dma_wait3A_620] : memref<10000x128xf32, #tpu.memory_space<vmem_shared>> -> memref<16x128xf32, #tpu.memory_space<vmem_shared>>
        %dma_wait3A_622 = arith.constant 0 : i32
        %dma_wait3A_623 = arith.constant 0 : i32
        %dma_wait3A_624 = tpu.memref_slice %arg8[%run_scoped3A_587, %dma_wait3A_622, %dma_wait3A_623] : memref<3x80x128xf32, #tpu.memory_space<vmem>> -> memref<1x80x128xf32, #tpu.memory_space<vmem>>
        %dma_wait3A_625 = tpu.memref_squeeze %dma_wait3A_624 : memref<1x80x128xf32, #tpu.memory_space<vmem>> -> memref<80x128xf32, #tpu.memory_space<vmem>>
        %dma_wait3A_626 = arith.constant 0 : i32
        %dma_wait3A_627 = arith.constant 0 : i32
        %dma_wait3A_628 = tpu.memref_slice %dma_wait3A_625[%dma_wait3A_626, %dma_wait3A_627] : memref<80x128xf32, #tpu.memory_space<vmem>> -> memref<16x128xf32, #tpu.memory_space<vmem>>
        tpu.wait_dma2 semaphore(%run_scoped3A_588 : memref<!tpu.dma_semaphore, #tpu.memory_space<semaphore_mem>>) src(%dma_wait3A_628 : memref<16x128xf32, #tpu.memory_space<vmem>>) dst(%dma_wait3A_621 : memref<16x128xf32, #tpu.memory_space<vmem_shared>>)
        tpu.yield
      }) : () -> ()
      "tpu.region"() ({
        %run_scoped3A_588 = tpu.sem_alloc : memref<!tpu.dma_semaphore, #tpu.memory_space<semaphore_mem>>
        %dma_start3A_589 = arith.constant 0 : i32
        %dma_start3A_590 = arith.constant 0 : i32
        %dma_start3A_591 = tpu.memref_slice %arg11[%dma_start3A_589, %dma_start3A_590] : memref<208x16xf32, #tpu.memory_space<vmem>> -> memref<16x16xf32, #tpu.memory_space<vmem>>
        %dma_start3A_592 = arith.constant 9984 : i32
        %dma_start3A_593 = arith.constant 0 : i32
        %dma_start3A_594 = tpu.memref_slice %arg7[%dma_start3A_592, %dma_start3A_593] : memref<10000x16xf32, #tpu.memory_space<vmem_shared>> -> memref<16x16xf32, #tpu.memory_space<vmem_shared>>
        %dma_start3A_595 = arith.constant 9984 : i32
        %dma_start3A_596 = arith.constant 0 : i32
        %dma_start3A_597 = tpu.memref_slice %arg7[%dma_start3A_595, %dma_start3A_596] : memref<10000x16xf32, #tpu.memory_space<vmem_shared>> -> memref<16x16xf32, #tpu.memory_space<vmem_shared>>
        %dma_start3A_598 = arith.constant 0 : i32
        %dma_start3A_599 = arith.constant 0 : i32
        %dma_start3A_600 = tpu.memref_slice %arg11[%dma_start3A_598, %dma_start3A_599] : memref<208x16xf32, #tpu.memory_space<vmem>> -> memref<16x16xf32, #tpu.memory_space<vmem>>
        tpu.enqueue_dma source(%dma_start3A_600 : memref<16x16xf32, #tpu.memory_space<vmem>>) target(%dma_start3A_597 : memref<16x16xf32, #tpu.memory_space<vmem_shared>>) target_semaphore(%run_scoped3A_588 : memref<!tpu.dma_semaphore, #tpu.memory_space<semaphore_mem>>)
        %dma_wait3A_601 = arith.constant 0 : i32
        %dma_wait3A_602 = arith.constant 0 : i32
        %dma_wait3A_603 = tpu.memref_slice %arg11[%dma_wait3A_601, %dma_wait3A_602] : memref<208x16xf32, #tpu.memory_space<vmem>> -> memref<16x16xf32, #tpu.memory_space<vmem>>
        %dma_wait3A_604 = arith.constant 9984 : i32
        %dma_wait3A_605 = arith.constant 0 : i32
        %dma_wait3A_606 = tpu.memref_slice %arg7[%dma_wait3A_604, %dma_wait3A_605] : memref<10000x16xf32, #tpu.memory_space<vmem_shared>> -> memref<16x16xf32, #tpu.memory_space<vmem_shared>>
        %dma_wait3A_607 = arith.constant 9984 : i32
        %dma_wait3A_608 = arith.constant 0 : i32
        %dma_wait3A_609 = tpu.memref_slice %arg7[%dma_wait3A_607, %dma_wait3A_608] : memref<10000x16xf32, #tpu.memory_space<vmem_shared>> -> memref<16x16xf32, #tpu.memory_space<vmem_shared>>
        %dma_wait3A_610 = arith.constant 0 : i32
        %dma_wait3A_611 = arith.constant 0 : i32
        %dma_wait3A_612 = tpu.memref_slice %arg11[%dma_wait3A_610, %dma_wait3A_611] : memref<208x16xf32, #tpu.memory_space<vmem>> -> memref<16x16xf32, #tpu.memory_space<vmem>>
        tpu.wait_dma2 semaphore(%run_scoped3A_588 : memref<!tpu.dma_semaphore, #tpu.memory_space<semaphore_mem>>) src(%dma_wait3A_612 : memref<16x16xf32, #tpu.memory_space<vmem>>) dst(%dma_wait3A_609 : memref<16x16xf32, #tpu.memory_space<vmem_shared>>)
        tpu.yield
      }) : () -> ()
    } else {
    }
    %barrier3A = arith.constant 0 : index
    tpu.barrier barrier_id(%barrier3A)
    %dma_start3A_434 = arith.constant 0 : i32
    %dma_start3A_435 = arith.constant 0 : i32
    %dma_start3A_436 = arith.constant 0 : i32
    %dma_start3A_437 = arith.constant 0 : i32
    %dma_start3A_438 = tpu.memref_slice %arg8[%dma_start3A_434, %dma_start3A_436, %dma_start3A_437] : memref<3x80x128xf32, #tpu.memory_space<vmem>> -> memref<1x80x128xf32, #tpu.memory_space<vmem>>
    %dma_start3A_439 = tpu.memref_squeeze %dma_start3A_438 : memref<1x80x128xf32, #tpu.memory_space<vmem>> -> memref<80x128xf32, #tpu.memory_space<vmem>>
    %dma_start3A_440 = arith.constant 0 : i32
    %dma_start3A_441 = tpu.memref_slice %arg2[%mul3A_2, %dma_start3A_440] : memref<320000x128xf32, #tpu.memory_space<hbm>> -> memref<80x128xf32, #tpu.memory_space<hbm>>
    %dma_start3A_442 = tpu.memref_slice %arg12[%dma_start3A_435] : memref<3x!tpu.dma_semaphore, #tpu.memory_space<semaphore_mem>> -> memref<1x!tpu.dma_semaphore, #tpu.memory_space<semaphore_mem>>
    %dma_start3A_443 = tpu.memref_squeeze %dma_start3A_442 : memref<1x!tpu.dma_semaphore, #tpu.memory_space<semaphore_mem>> -> memref<!tpu.dma_semaphore, #tpu.memory_space<semaphore_mem>>
    %dma_start3A_444 = arith.constant 0 : i32
    %dma_start3A_445 = arith.constant 0 : i32
    %dma_start3A_446 = tpu.memref_slice %arg8[%dma_start3A_434, %dma_start3A_444, %dma_start3A_445] : memref<3x80x128xf32, #tpu.memory_space<vmem>> -> memref<1x80x128xf32, #tpu.memory_space<vmem>>
    %dma_start3A_447 = tpu.memref_squeeze %dma_start3A_446 : memref<1x80x128xf32, #tpu.memory_space<vmem>> -> memref<80x128xf32, #tpu.memory_space<vmem>>
    %dma_start3A_448 = arith.constant 0 : i32
    %dma_start3A_449 = tpu.memref_slice %arg2[%mul3A_2, %dma_start3A_448] : memref<320000x128xf32, #tpu.memory_space<hbm>> -> memref<80x128xf32, #tpu.memory_space<hbm>>
    tpu.enqueue_dma source(%dma_start3A_449 : memref<80x128xf32, #tpu.memory_space<hbm>>) target(%dma_start3A_447 : memref<80x128xf32, #tpu.memory_space<vmem>>) target_semaphore(%dma_start3A_443 : memref<!tpu.dma_semaphore, #tpu.memory_space<semaphore_mem>>)
    %dma_start3A_450 = arith.constant 0 : i32
    %dma_start3A_451 = arith.constant 0 : i32
    %dma_start3A_452 = arith.constant 0 : i32
    %dma_start3A_453 = tpu.memref_slice %arg9[%dma_start3A_450, %dma_start3A_452] : memref<3x80xi32, #tpu.memory_space<vmem>> -> memref<1x80xi32, #tpu.memory_space<vmem>>
    %dma_start3A_454 = tpu.memref_squeeze %dma_start3A_453 : memref<1x80xi32, #tpu.memory_space<vmem>> -> memref<80xi32, #tpu.memory_space<vmem>>
    %dma_start3A_455 = arith.constant 0 : i32
    %dma_start3A_456 = tpu.memref_slice %arg3[%mul3A_4, %dma_start3A_455] : memref<4000x80xi32, #tpu.memory_space<hbm>> -> memref<1x80xi32, #tpu.memory_space<hbm>>
    %dma_start3A_457 = tpu.memref_squeeze %dma_start3A_456 : memref<1x80xi32, #tpu.memory_space<hbm>> -> memref<80xi32, #tpu.memory_space<hbm>>
    %dma_start3A_458 = tpu.memref_slice %arg12[%dma_start3A_451] : memref<3x!tpu.dma_semaphore, #tpu.memory_space<semaphore_mem>> -> memref<1x!tpu.dma_semaphore, #tpu.memory_space<semaphore_mem>>
    %dma_start3A_459 = tpu.memref_squeeze %dma_start3A_458 : memref<1x!tpu.dma_semaphore, #tpu.memory_space<semaphore_mem>> -> memref<!tpu.dma_semaphore, #tpu.memory_space<semaphore_mem>>
    %dma_start3A_460 = arith.constant 0 : i32
    %dma_start3A_461 = tpu.memref_slice %arg9[%dma_start3A_450, %dma_start3A_460] : memref<3x80xi32, #tpu.memory_space<vmem>> -> memref<1x80xi32, #tpu.memory_space<vmem>>
    %dma_start3A_462 = tpu.memref_squeeze %dma_start3A_461 : memref<1x80xi32, #tpu.memory_space<vmem>> -> memref<80xi32, #tpu.memory_space<vmem>>
    %dma_start3A_463 = arith.constant 0 : i32
    %dma_start3A_464 = tpu.memref_slice %arg3[%mul3A_4, %dma_start3A_463] : memref<4000x80xi32, #tpu.memory_space<hbm>> -> memref<1x80xi32, #tpu.memory_space<hbm>>
    %dma_start3A_465 = tpu.memref_squeeze %dma_start3A_464 : memref<1x80xi32, #tpu.memory_space<hbm>> -> memref<80xi32, #tpu.memory_space<hbm>>
    tpu.enqueue_dma source(%dma_start3A_465 : memref<80xi32, #tpu.memory_space<hbm>>) target(%dma_start3A_462 : memref<80xi32, #tpu.memory_space<vmem>>) target_semaphore(%dma_start3A_459 : memref<!tpu.dma_semaphore, #tpu.memory_space<semaphore_mem>>)
    %scan3A_466 = arith.constant 0 : i32
    %scan3A_467 = arith.constant 0 : i32
    %scan3A_468 = arith.constant 41 : i32
    %scan3A_469 = arith.addi %scan3A_467, %scan3A_468 : i32
    %scan3A_470 = arith.constant 1 : i32
    scf.for %scan3A_587 = %scan3A_467 to %scan3A_469 step %scan3A_470  : i32 {
      %mul3A_588 = arith.constant 3 : i32
      %mul3A_589 = arith.muli %scan3A_587, %mul3A_588 : i32
      %add3A_590 = arith.constant 0 : i32
      %add3A_591 = arith.addi %mul3A_589, %add3A_590 : i32
      %mul3A_592 = arith.constant 80 : i32
      %mul3A_593 = arith.muli %add3A_591, %mul3A_592 : i32
      %add3A_594 = arith.addi %mul3A_2, %mul3A_593 : i32
      %dma_wait3A_595 = arith.constant 0 : i32
      %dma_wait3A_596 = arith.constant 0 : i32
      %dma_wait3A_597 = arith.constant 0 : i32
      %dma_wait3A_598 = arith.constant 0 : i32
      %dma_wait3A_599 = tpu.memref_slice %arg8[%dma_wait3A_595, %dma_wait3A_597, %dma_wait3A_598] : memref<3x80x128xf32, #tpu.memory_space<vmem>> -> memref<1x80x128xf32, #tpu.memory_space<vmem>>
      %dma_wait3A_600 = tpu.memref_squeeze %dma_wait3A_599 : memref<1x80x128xf32, #tpu.memory_space<vmem>> -> memref<80x128xf32, #tpu.memory_space<vmem>>
      %dma_wait3A_601 = arith.constant 0 : i32
      %dma_wait3A_602 = tpu.memref_slice %arg2[%add3A_594, %dma_wait3A_601] : memref<320000x128xf32, #tpu.memory_space<hbm>> -> memref<80x128xf32, #tpu.memory_space<hbm>>
      %dma_wait3A_603 = tpu.memref_slice %arg12[%dma_wait3A_596] : memref<3x!tpu.dma_semaphore, #tpu.memory_space<semaphore_mem>> -> memref<1x!tpu.dma_semaphore, #tpu.memory_space<semaphore_mem>>
      %dma_wait3A_604 = tpu.memref_squeeze %dma_wait3A_603 : memref<1x!tpu.dma_semaphore, #tpu.memory_space<semaphore_mem>> -> memref<!tpu.dma_semaphore, #tpu.memory_space<semaphore_mem>>
      %dma_wait3A_605 = arith.constant 0 : i32
      %dma_wait3A_606 = arith.constant 0 : i32
      %dma_wait3A_607 = tpu.memref_slice %arg8[%dma_wait3A_595, %dma_wait3A_605, %dma_wait3A_606] : memref<3x80x128xf32, #tpu.memory_space<vmem>> -> memref<1x80x128xf32, #tpu.memory_space<vmem>>
      %dma_wait3A_608 = tpu.memref_squeeze %dma_wait3A_607 : memref<1x80x128xf32, #tpu.memory_space<vmem>> -> memref<80x128xf32, #tpu.memory_space<vmem>>
      %dma_wait3A_609 = arith.constant 0 : i32
      %dma_wait3A_610 = tpu.memref_slice %arg2[%add3A_594, %dma_wait3A_609] : memref<320000x128xf32, #tpu.memory_space<hbm>> -> memref<80x128xf32, #tpu.memory_space<hbm>>
      tpu.wait_dma2 semaphore(%dma_wait3A_604 : memref<!tpu.dma_semaphore, #tpu.memory_space<semaphore_mem>>) src(%dma_wait3A_610 : memref<80x128xf32, #tpu.memory_space<hbm>>) dst(%dma_wait3A_608 : memref<80x128xf32, #tpu.memory_space<vmem>>)
      %add3A_611 = arith.addi %mul3A_4, %add3A_591 : i32
      %dma_wait3A_612 = arith.constant 0 : i32
      %dma_wait3A_613 = arith.constant 0 : i32
      %dma_wait3A_614 = arith.constant 0 : i32
      %dma_wait3A_615 = tpu.memref_slice %arg9[%dma_wait3A_612, %dma_wait3A_614] : memref<3x80xi32, #tpu.memory_space<vmem>> -> memref<1x80xi32, #tpu.memory_space<vmem>>
      %dma_wait3A_616 = tpu.memref_squeeze %dma_wait3A_615 : memref<1x80xi32, #tpu.memory_space<vmem>> -> memref<80xi32, #tpu.memory_space<vmem>>
      %dma_wait3A_617 = arith.constant 0 : i32
      %dma_wait3A_618 = tpu.memref_slice %arg3[%add3A_611, %dma_wait3A_617] : memref<4000x80xi32, #tpu.memory_space<hbm>> -> memref<1x80xi32, #tpu.memory_space<hbm>>
      %dma_wait3A_619 = tpu.memref_squeeze %dma_wait3A_618 : memref<1x80xi32, #tpu.memory_space<hbm>> -> memref<80xi32, #tpu.memory_space<hbm>>
      %dma_wait3A_620 = tpu.memref_slice %arg12[%dma_wait3A_613] : memref<3x!tpu.dma_semaphore, #tpu.memory_space<semaphore_mem>> -> memref<1x!tpu.dma_semaphore, #tpu.memory_space<semaphore_mem>>
      %dma_wait3A_621 = tpu.memref_squeeze %dma_wait3A_620 : memref<1x!tpu.dma_semaphore, #tpu.memory_space<semaphore_mem>> -> memref<!tpu.dma_semaphore, #tpu.memory_space<semaphore_mem>>
      %dma_wait3A_622 = arith.constant 0 : i32
      %dma_wait3A_623 = tpu.memref_slice %arg9[%dma_wait3A_612, %dma_wait3A_622] : memref<3x80xi32, #tpu.memory_space<vmem>> -> memref<1x80xi32, #tpu.memory_space<vmem>>
      %dma_wait3A_624 = tpu.memref_squeeze %dma_wait3A_623 : memref<1x80xi32, #tpu.memory_space<vmem>> -> memref<80xi32, #tpu.memory_space<vmem>>
      %dma_wait3A_625 = arith.constant 0 : i32
      %dma_wait3A_626 = tpu.memref_slice %arg3[%add3A_611, %dma_wait3A_625] : memref<4000x80xi32, #tpu.memory_space<hbm>> -> memref<1x80xi32, #tpu.memory_space<hbm>>
      %dma_wait3A_627 = tpu.memref_squeeze %dma_wait3A_626 : memref<1x80xi32, #tpu.memory_space<hbm>> -> memref<80xi32, #tpu.memory_space<hbm>>
      tpu.wait_dma2 semaphore(%dma_wait3A_621 : memref<!tpu.dma_semaphore, #tpu.memory_space<semaphore_mem>>) src(%dma_wait3A_627 : memref<80xi32, #tpu.memory_space<hbm>>) dst(%dma_wait3A_624 : memref<80xi32, #tpu.memory_space<vmem>>)
      %dma_start3A_628 = arith.constant 0 : i32
      %dma_start3A_629 = arith.constant 0 : i32
      %dma_start3A_630 = arith.constant 0 : i32
      %dma_start3A_631 = arith.constant 0 : i32
      %dma_start3A_632 = arith.constant 0 : i32
      %dma_start3A_633 = tpu.memref_slice %arg8[%dma_start3A_628, %dma_start3A_631, %dma_start3A_632] : memref<3x80x128xf32, #tpu.memory_space<vmem>> -> memref<1x80x128xf32, #tpu.memory_space<vmem>>
      %dma_start3A_634 = tpu.memref_squeeze %dma_start3A_633 : memref<1x80x128xf32, #tpu.memory_space<vmem>> -> memref<80x128xf32, #tpu.memory_space<vmem>>
      %dma_start3A_635 = arith.constant 0 : i32
      %dma_start3A_636 = tpu.memref_slice %arg9[%dma_start3A_629, %dma_start3A_635] : memref<3x80xi32, #tpu.memory_space<vmem>> -> memref<1x80xi32, #tpu.memory_space<vmem>>
      %dma_start3A_637 = tpu.memref_squeeze %dma_start3A_636 : memref<1x80xi32, #tpu.memory_space<vmem>> -> memref<80xi32, #tpu.memory_space<vmem>>
      %dma_start3A_638 = arith.constant 0 : i32
      %dma_start3A_639 = arith.constant 0 : i32
      %dma_start3A_640 = tpu.memref_slice %arg6[%dma_start3A_638, %dma_start3A_639] : memref<10000x128xf32, #tpu.memory_space<vmem_shared>> -> memref<10000x128xf32, #tpu.memory_space<vmem_shared>>
      %dma_start3A_641 = tpu.memref_slice %arg13[%dma_start3A_630] : memref<3x!tpu.dma_semaphore, #tpu.memory_space<semaphore_mem>> -> memref<1x!tpu.dma_semaphore, #tpu.memory_space<semaphore_mem>>
      %dma_start3A_642 = tpu.memref_squeeze %dma_start3A_641 : memref<1x!tpu.dma_semaphore, #tpu.memory_space<semaphore_mem>> -> memref<!tpu.dma_semaphore, #tpu.memory_space<semaphore_mem>>
      tpu.enqueue_indirect_dma source(%dma_start3A_634 : memref<80x128xf32, #tpu.memory_space<vmem>>) target(%dma_start3A_640 : memref<10000x128xf32, #tpu.memory_space<vmem_shared>>) offsets(%dma_start3A_637 : memref<80xi32, #tpu.memory_space<vmem>>) semaphore(%dma_start3A_642 : memref<!tpu.dma_semaphore, #tpu.memory_space<semaphore_mem>>) {add = true}
      %dma_start3A_643 = arith.constant 0 : i32
      %dma_start3A_644 = arith.constant 0 : i32
      %dma_start3A_645 = arith.constant 0 : i32
      %dma_start3A_646 = tpu.memref_slice %arg9[%dma_start3A_643, %dma_start3A_645] : memref<3x80xi32, #tpu.memory_space<vmem>> -> memref<1x80xi32, #tpu.memory_space<vmem>>
      %dma_start3A_647 = tpu.memref_squeeze %dma_start3A_646 : memref<1x80xi32, #tpu.memory_space<vmem>> -> memref<80xi32, #tpu.memory_space<vmem>>
      %dma_start3A_648 = arith.constant 0 : i32
      %dma_start3A_649 = arith.constant 0 : i32
      %dma_start3A_650 = tpu.memref_slice %arg7[%dma_start3A_648, %dma_start3A_649] : memref<10000x16xf32, #tpu.memory_space<vmem_shared>> -> memref<10000x16xf32, #tpu.memory_space<vmem_shared>>
      %dma_start3A_651 = tpu.memref_slice %arg13[%dma_start3A_644] : memref<3x!tpu.dma_semaphore, #tpu.memory_space<semaphore_mem>> -> memref<1x!tpu.dma_semaphore, #tpu.memory_space<semaphore_mem>>
      %dma_start3A_652 = tpu.memref_squeeze %dma_start3A_651 : memref<1x!tpu.dma_semaphore, #tpu.memory_space<semaphore_mem>> -> memref<!tpu.dma_semaphore, #tpu.memory_space<semaphore_mem>>
      tpu.enqueue_indirect_dma source(%arg10 : memref<80x16xf32, #tpu.memory_space<vmem>>) target(%dma_start3A_650 : memref<10000x16xf32, #tpu.memory_space<vmem_shared>>) offsets(%dma_start3A_647 : memref<80xi32, #tpu.memory_space<vmem>>) semaphore(%dma_start3A_652 : memref<!tpu.dma_semaphore, #tpu.memory_space<semaphore_mem>>) {add = true}
      %mul3A_653 = arith.constant 3 : i32
      %mul3A_654 = arith.muli %scan3A_587, %mul3A_653 : i32
      %add3A_655 = arith.constant 1 : i32
      %add3A_656 = arith.addi %mul3A_654, %add3A_655 : i32
      %mul3A_657 = arith.constant 80 : i32
      %mul3A_658 = arith.muli %add3A_656, %mul3A_657 : i32
      %add3A_659 = arith.addi %mul3A_2, %mul3A_658 : i32
      %dma_wait3A_660 = arith.constant 1 : i32
      %dma_wait3A_661 = arith.constant 1 : i32
      %dma_wait3A_662 = arith.constant 0 : i32
      %dma_wait3A_663 = arith.constant 0 : i32
      %dma_wait3A_664 = tpu.memref_slice %arg8[%dma_wait3A_660, %dma_wait3A_662, %dma_wait3A_663] : memref<3x80x128xf32, #tpu.memory_space<vmem>> -> memref<1x80x128xf32, #tpu.memory_space<vmem>>
      %dma_wait3A_665 = tpu.memref_squeeze %dma_wait3A_664 : memref<1x80x128xf32, #tpu.memory_space<vmem>> -> memref<80x128xf32, #tpu.memory_space<vmem>>
      %dma_wait3A_666 = arith.constant 0 : i32
      %dma_wait3A_667 = tpu.memref_slice %arg2[%add3A_659, %dma_wait3A_666] : memref<320000x128xf32, #tpu.memory_space<hbm>> -> memref<80x128xf32, #tpu.memory_space<hbm>>
      %dma_wait3A_668 = tpu.memref_slice %arg12[%dma_wait3A_661] : memref<3x!tpu.dma_semaphore, #tpu.memory_space<semaphore_mem>> -> memref<1x!tpu.dma_semaphore, #tpu.memory_space<semaphore_mem>>
      %dma_wait3A_669 = tpu.memref_squeeze %dma_wait3A_668 : memref<1x!tpu.dma_semaphore, #tpu.memory_space<semaphore_mem>> -> memref<!tpu.dma_semaphore, #tpu.memory_space<semaphore_mem>>
      %dma_wait3A_670 = arith.constant 0 : i32
      %dma_wait3A_671 = arith.constant 0 : i32
      %dma_wait3A_672 = tpu.memref_slice %arg8[%dma_wait3A_660, %dma_wait3A_670, %dma_wait3A_671] : memref<3x80x128xf32, #tpu.memory_space<vmem>> -> memref<1x80x128xf32, #tpu.memory_space<vmem>>
      %dma_wait3A_673 = tpu.memref_squeeze %dma_wait3A_672 : memref<1x80x128xf32, #tpu.memory_space<vmem>> -> memref<80x128xf32, #tpu.memory_space<vmem>>
      %dma_wait3A_674 = arith.constant 0 : i32
      %dma_wait3A_675 = tpu.memref_slice %arg2[%add3A_659, %dma_wait3A_674] : memref<320000x128xf32, #tpu.memory_space<hbm>> -> memref<80x128xf32, #tpu.memory_space<hbm>>
      tpu.wait_dma2 semaphore(%dma_wait3A_669 : memref<!tpu.dma_semaphore, #tpu.memory_space<semaphore_mem>>) src(%dma_wait3A_675 : memref<80x128xf32, #tpu.memory_space<hbm>>) dst(%dma_wait3A_673 : memref<80x128xf32, #tpu.memory_space<vmem>>)
      %add3A_676 = arith.addi %mul3A_4, %add3A_656 : i32
      %dma_wait3A_677 = arith.constant 1 : i32
      %dma_wait3A_678 = arith.constant 1 : i32
      %dma_wait3A_679 = arith.constant 0 : i32
      %dma_wait3A_680 = tpu.memref_slice %arg9[%dma_wait3A_677, %dma_wait3A_679] : memref<3x80xi32, #tpu.memory_space<vmem>> -> memref<1x80xi32, #tpu.memory_space<vmem>>
      %dma_wait3A_681 = tpu.memref_squeeze %dma_wait3A_680 : memref<1x80xi32, #tpu.memory_space<vmem>> -> memref<80xi32, #tpu.memory_space<vmem>>
      %dma_wait3A_682 = arith.constant 0 : i32
      %dma_wait3A_683 = tpu.memref_slice %arg3[%add3A_676, %dma_wait3A_682] : memref<4000x80xi32, #tpu.memory_space<hbm>> -> memref<1x80xi32, #tpu.memory_space<hbm>>
      %dma_wait3A_684 = tpu.memref_squeeze %dma_wait3A_683 : memref<1x80xi32, #tpu.memory_space<hbm>> -> memref<80xi32, #tpu.memory_space<hbm>>
      %dma_wait3A_685 = tpu.memref_slice %arg12[%dma_wait3A_678] : memref<3x!tpu.dma_semaphore, #tpu.memory_space<semaphore_mem>> -> memref<1x!tpu.dma_semaphore, #tpu.memory_space<semaphore_mem>>
      %dma_wait3A_686 = tpu.memref_squeeze %dma_wait3A_685 : memref<1x!tpu.dma_semaphore, #tpu.memory_space<semaphore_mem>> -> memref<!tpu.dma_semaphore, #tpu.memory_space<semaphore_mem>>
      %dma_wait3A_687 = arith.constant 0 : i32
      %dma_wait3A_688 = tpu.memref_slice %arg9[%dma_wait3A_677, %dma_wait3A_687] : memref<3x80xi32, #tpu.memory_space<vmem>> -> memref<1x80xi32, #tpu.memory_space<vmem>>
      %dma_wait3A_689 = tpu.memref_squeeze %dma_wait3A_688 : memref<1x80xi32, #tpu.memory_space<vmem>> -> memref<80xi32, #tpu.memory_space<vmem>>
      %dma_wait3A_690 = arith.constant 0 : i32
      %dma_wait3A_691 = tpu.memref_slice %arg3[%add3A_676, %dma_wait3A_690] : memref<4000x80xi32, #tpu.memory_space<hbm>> -> memref<1x80xi32, #tpu.memory_space<hbm>>
      %dma_wait3A_692 = tpu.memref_squeeze %dma_wait3A_691 : memref<1x80xi32, #tpu.memory_space<hbm>> -> memref<80xi32, #tpu.memory_space<hbm>>
      tpu.wait_dma2 semaphore(%dma_wait3A_686 : memref<!tpu.dma_semaphore, #tpu.memory_space<semaphore_mem>>) src(%dma_wait3A_692 : memref<80xi32, #tpu.memory_space<hbm>>) dst(%dma_wait3A_689 : memref<80xi32, #tpu.memory_space<vmem>>)
      %dma_start3A_693 = arith.constant 1 : i32
      %dma_start3A_694 = arith.constant 1 : i32
      %dma_start3A_695 = arith.constant 1 : i32
      %dma_start3A_696 = arith.constant 0 : i32
      %dma_start3A_697 = arith.constant 0 : i32
      %dma_start3A_698 = tpu.memref_slice %arg8[%dma_start3A_693, %dma_start3A_696, %dma_start3A_697] : memref<3x80x128xf32, #tpu.memory_space<vmem>> -> memref<1x80x128xf32, #tpu.memory_space<vmem>>
      %dma_start3A_699 = tpu.memref_squeeze %dma_start3A_698 : memref<1x80x128xf32, #tpu.memory_space<vmem>> -> memref<80x128xf32, #tpu.memory_space<vmem>>
      %dma_start3A_700 = arith.constant 0 : i32
      %dma_start3A_701 = tpu.memref_slice %arg9[%dma_start3A_694, %dma_start3A_700] : memref<3x80xi32, #tpu.memory_space<vmem>> -> memref<1x80xi32, #tpu.memory_space<vmem>>
      %dma_start3A_702 = tpu.memref_squeeze %dma_start3A_701 : memref<1x80xi32, #tpu.memory_space<vmem>> -> memref<80xi32, #tpu.memory_space<vmem>>
      %dma_start3A_703 = arith.constant 0 : i32
      %dma_start3A_704 = arith.constant 0 : i32
      %dma_start3A_705 = tpu.memref_slice %arg6[%dma_start3A_703, %dma_start3A_704] : memref<10000x128xf32, #tpu.memory_space<vmem_shared>> -> memref<10000x128xf32, #tpu.memory_space<vmem_shared>>
      %dma_start3A_706 = tpu.memref_slice %arg13[%dma_start3A_695] : memref<3x!tpu.dma_semaphore, #tpu.memory_space<semaphore_mem>> -> memref<1x!tpu.dma_semaphore, #tpu.memory_space<semaphore_mem>>
      %dma_start3A_707 = tpu.memref_squeeze %dma_start3A_706 : memref<1x!tpu.dma_semaphore, #tpu.memory_space<semaphore_mem>> -> memref<!tpu.dma_semaphore, #tpu.memory_space<semaphore_mem>>
      tpu.enqueue_indirect_dma source(%dma_start3A_699 : memref<80x128xf32, #tpu.memory_space<vmem>>) target(%dma_start3A_705 : memref<10000x128xf32, #tpu.memory_space<vmem_shared>>) offsets(%dma_start3A_702 : memref<80xi32, #tpu.memory_space<vmem>>) semaphore(%dma_start3A_707 : memref<!tpu.dma_semaphore, #tpu.memory_space<semaphore_mem>>) {add = true}
      %dma_start3A_708 = arith.constant 1 : i32
      %dma_start3A_709 = arith.constant 1 : i32
      %dma_start3A_710 = arith.constant 0 : i32
      %dma_start3A_711 = tpu.memref_slice %arg9[%dma_start3A_708, %dma_start3A_710] : memref<3x80xi32, #tpu.memory_space<vmem>> -> memref<1x80xi32, #tpu.memory_space<vmem>>
      %dma_start3A_712 = tpu.memref_squeeze %dma_start3A_711 : memref<1x80xi32, #tpu.memory_space<vmem>> -> memref<80xi32, #tpu.memory_space<vmem>>
      %dma_start3A_713 = arith.constant 0 : i32
      %dma_start3A_714 = arith.constant 0 : i32
      %dma_start3A_715 = tpu.memref_slice %arg7[%dma_start3A_713, %dma_start3A_714] : memref<10000x16xf32, #tpu.memory_space<vmem_shared>> -> memref<10000x16xf32, #tpu.memory_space<vmem_shared>>
      %dma_start3A_716 = tpu.memref_slice %arg13[%dma_start3A_709] : memref<3x!tpu.dma_semaphore, #tpu.memory_space<semaphore_mem>> -> memref<1x!tpu.dma_semaphore, #tpu.memory_space<semaphore_mem>>
      %dma_start3A_717 = tpu.memref_squeeze %dma_start3A_716 : memref<1x!tpu.dma_semaphore, #tpu.memory_space<semaphore_mem>> -> memref<!tpu.dma_semaphore, #tpu.memory_space<semaphore_mem>>
      tpu.enqueue_indirect_dma source(%arg10 : memref<80x16xf32, #tpu.memory_space<vmem>>) target(%dma_start3A_715 : memref<10000x16xf32, #tpu.memory_space<vmem_shared>>) offsets(%dma_start3A_712 : memref<80xi32, #tpu.memory_space<vmem>>) semaphore(%dma_start3A_717 : memref<!tpu.dma_semaphore, #tpu.memory_space<semaphore_mem>>) {add = true}
      %mul3A_718 = arith.constant 3 : i32
      %mul3A_719 = arith.muli %scan3A_587, %mul3A_718 : i32
      %add3A_720 = arith.constant 2 : i32
      %add3A_721 = arith.addi %mul3A_719, %add3A_720 : i32
      %mul3A_722 = arith.constant 80 : i32
      %mul3A_723 = arith.muli %add3A_721, %mul3A_722 : i32
      %add3A_724 = arith.addi %mul3A_2, %mul3A_723 : i32
      %dma_wait3A_725 = arith.constant 2 : i32
      %dma_wait3A_726 = arith.constant 2 : i32
      %dma_wait3A_727 = arith.constant 0 : i32
      %dma_wait3A_728 = arith.constant 0 : i32
      %dma_wait3A_729 = tpu.memref_slice %arg8[%dma_wait3A_725, %dma_wait3A_727, %dma_wait3A_728] : memref<3x80x128xf32, #tpu.memory_space<vmem>> -> memref<1x80x128xf32, #tpu.memory_space<vmem>>
      %dma_wait3A_730 = tpu.memref_squeeze %dma_wait3A_729 : memref<1x80x128xf32, #tpu.memory_space<vmem>> -> memref<80x128xf32, #tpu.memory_space<vmem>>
      %dma_wait3A_731 = arith.constant 0 : i32
      %dma_wait3A_732 = tpu.memref_slice %arg2[%add3A_724, %dma_wait3A_731] : memref<320000x128xf32, #tpu.memory_space<hbm>> -> memref<80x128xf32, #tpu.memory_space<hbm>>
      %dma_wait3A_733 = tpu.memref_slice %arg12[%dma_wait3A_726] : memref<3x!tpu.dma_semaphore, #tpu.memory_space<semaphore_mem>> -> memref<1x!tpu.dma_semaphore, #tpu.memory_space<semaphore_mem>>
      %dma_wait3A_734 = tpu.memref_squeeze %dma_wait3A_733 : memref<1x!tpu.dma_semaphore, #tpu.memory_space<semaphore_mem>> -> memref<!tpu.dma_semaphore, #tpu.memory_space<semaphore_mem>>
      %dma_wait3A_735 = arith.constant 0 : i32
      %dma_wait3A_736 = arith.constant 0 : i32
      %dma_wait3A_737 = tpu.memref_slice %arg8[%dma_wait3A_725, %dma_wait3A_735, %dma_wait3A_736] : memref<3x80x128xf32, #tpu.memory_space<vmem>> -> memref<1x80x128xf32, #tpu.memory_space<vmem>>
      %dma_wait3A_738 = tpu.memref_squeeze %dma_wait3A_737 : memref<1x80x128xf32, #tpu.memory_space<vmem>> -> memref<80x128xf32, #tpu.memory_space<vmem>>
      %dma_wait3A_739 = arith.constant 0 : i32
      %dma_wait3A_740 = tpu.memref_slice %arg2[%add3A_724, %dma_wait3A_739] : memref<320000x128xf32, #tpu.memory_space<hbm>> -> memref<80x128xf32, #tpu.memory_space<hbm>>
      tpu.wait_dma2 semaphore(%dma_wait3A_734 : memref<!tpu.dma_semaphore, #tpu.memory_space<semaphore_mem>>) src(%dma_wait3A_740 : memref<80x128xf32, #tpu.memory_space<hbm>>) dst(%dma_wait3A_738 : memref<80x128xf32, #tpu.memory_space<vmem>>)
      %add3A_741 = arith.addi %mul3A_4, %add3A_721 : i32
      %dma_wait3A_742 = arith.constant 2 : i32
      %dma_wait3A_743 = arith.constant 2 : i32
      %dma_wait3A_744 = arith.constant 0 : i32
      %dma_wait3A_745 = tpu.memref_slice %arg9[%dma_wait3A_742, %dma_wait3A_744] : memref<3x80xi32, #tpu.memory_space<vmem>> -> memref<1x80xi32, #tpu.memory_space<vmem>>
      %dma_wait3A_746 = tpu.memref_squeeze %dma_wait3A_745 : memref<1x80xi32, #tpu.memory_space<vmem>> -> memref<80xi32, #tpu.memory_space<vmem>>
      %dma_wait3A_747 = arith.constant 0 : i32
      %dma_wait3A_748 = tpu.memref_slice %arg3[%add3A_741, %dma_wait3A_747] : memref<4000x80xi32, #tpu.memory_space<hbm>> -> memref<1x80xi32, #tpu.memory_space<hbm>>
      %dma_wait3A_749 = tpu.memref_squeeze %dma_wait3A_748 : memref<1x80xi32, #tpu.memory_space<hbm>> -> memref<80xi32, #tpu.memory_space<hbm>>
      %dma_wait3A_750 = tpu.memref_slice %arg12[%dma_wait3A_743] : memref<3x!tpu.dma_semaphore, #tpu.memory_space<semaphore_mem>> -> memref<1x!tpu.dma_semaphore, #tpu.memory_space<semaphore_mem>>
      %dma_wait3A_751 = tpu.memref_squeeze %dma_wait3A_750 : memref<1x!tpu.dma_semaphore, #tpu.memory_space<semaphore_mem>> -> memref<!tpu.dma_semaphore, #tpu.memory_space<semaphore_mem>>
      %dma_wait3A_752 = arith.constant 0 : i32
      %dma_wait3A_753 = tpu.memref_slice %arg9[%dma_wait3A_742, %dma_wait3A_752] : memref<3x80xi32, #tpu.memory_space<vmem>> -> memref<1x80xi32, #tpu.memory_space<vmem>>
      %dma_wait3A_754 = tpu.memref_squeeze %dma_wait3A_753 : memref<1x80xi32, #tpu.memory_space<vmem>> -> memref<80xi32, #tpu.memory_space<vmem>>
      %dma_wait3A_755 = arith.constant 0 : i32
      %dma_wait3A_756 = tpu.memref_slice %arg3[%add3A_741, %dma_wait3A_755] : memref<4000x80xi32, #tpu.memory_space<hbm>> -> memref<1x80xi32, #tpu.memory_space<hbm>>
      %dma_wait3A_757 = tpu.memref_squeeze %dma_wait3A_756 : memref<1x80xi32, #tpu.memory_space<hbm>> -> memref<80xi32, #tpu.memory_space<hbm>>
      tpu.wait_dma2 semaphore(%dma_wait3A_751 : memref<!tpu.dma_semaphore, #tpu.memory_space<semaphore_mem>>) src(%dma_wait3A_757 : memref<80xi32, #tpu.memory_space<hbm>>) dst(%dma_wait3A_754 : memref<80xi32, #tpu.memory_space<vmem>>)
      %dma_start3A_758 = arith.constant 2 : i32
      %dma_start3A_759 = arith.constant 2 : i32
      %dma_start3A_760 = arith.constant 2 : i32
      %dma_start3A_761 = arith.constant 0 : i32
      %dma_start3A_762 = arith.constant 0 : i32
      %dma_start3A_763 = tpu.memref_slice %arg8[%dma_start3A_758, %dma_start3A_761, %dma_start3A_762] : memref<3x80x128xf32, #tpu.memory_space<vmem>> -> memref<1x80x128xf32, #tpu.memory_space<vmem>>
      %dma_start3A_764 = tpu.memref_squeeze %dma_start3A_763 : memref<1x80x128xf32, #tpu.memory_space<vmem>> -> memref<80x128xf32, #tpu.memory_space<vmem>>
      %dma_start3A_765 = arith.constant 0 : i32
      %dma_start3A_766 = tpu.memref_slice %arg9[%dma_start3A_759, %dma_start3A_765] : memref<3x80xi32, #tpu.memory_space<vmem>> -> memref<1x80xi32, #tpu.memory_space<vmem>>
      %dma_start3A_767 = tpu.memref_squeeze %dma_start3A_766 : memref<1x80xi32, #tpu.memory_space<vmem>> -> memref<80xi32, #tpu.memory_space<vmem>>
      %dma_start3A_768 = arith.constant 0 : i32
      %dma_start3A_769 = arith.constant 0 : i32
      %dma_start3A_770 = tpu.memref_slice %arg6[%dma_start3A_768, %dma_start3A_769] : memref<10000x128xf32, #tpu.memory_space<vmem_shared>> -> memref<10000x128xf32, #tpu.memory_space<vmem_shared>>
      %dma_start3A_771 = tpu.memref_slice %arg13[%dma_start3A_760] : memref<3x!tpu.dma_semaphore, #tpu.memory_space<semaphore_mem>> -> memref<1x!tpu.dma_semaphore, #tpu.memory_space<semaphore_mem>>
      %dma_start3A_772 = tpu.memref_squeeze %dma_start3A_771 : memref<1x!tpu.dma_semaphore, #tpu.memory_space<semaphore_mem>> -> memref<!tpu.dma_semaphore, #tpu.memory_space<semaphore_mem>>
      tpu.enqueue_indirect_dma source(%dma_start3A_764 : memref<80x128xf32, #tpu.memory_space<vmem>>) target(%dma_start3A_770 : memref<10000x128xf32, #tpu.memory_space<vmem_shared>>) offsets(%dma_start3A_767 : memref<80xi32, #tpu.memory_space<vmem>>) semaphore(%dma_start3A_772 : memref<!tpu.dma_semaphore, #tpu.memory_space<semaphore_mem>>) {add = true}
      %dma_start3A_773 = arith.constant 2 : i32
      %dma_start3A_774 = arith.constant 2 : i32
      %dma_start3A_775 = arith.constant 0 : i32
      %dma_start3A_776 = tpu.memref_slice %arg9[%dma_start3A_773, %dma_start3A_775] : memref<3x80xi32, #tpu.memory_space<vmem>> -> memref<1x80xi32, #tpu.memory_space<vmem>>
      %dma_start3A_777 = tpu.memref_squeeze %dma_start3A_776 : memref<1x80xi32, #tpu.memory_space<vmem>> -> memref<80xi32, #tpu.memory_space<vmem>>
      %dma_start3A_778 = arith.constant 0 : i32
      %dma_start3A_779 = arith.constant 0 : i32
      %dma_start3A_780 = tpu.memref_slice %arg7[%dma_start3A_778, %dma_start3A_779] : memref<10000x16xf32, #tpu.memory_space<vmem_shared>> -> memref<10000x16xf32, #tpu.memory_space<vmem_shared>>
      %dma_start3A_781 = tpu.memref_slice %arg13[%dma_start3A_774] : memref<3x!tpu.dma_semaphore, #tpu.memory_space<semaphore_mem>> -> memref<1x!tpu.dma_semaphore, #tpu.memory_space<semaphore_mem>>
      %dma_start3A_782 = tpu.memref_squeeze %dma_start3A_781 : memref<1x!tpu.dma_semaphore, #tpu.memory_space<semaphore_mem>> -> memref<!tpu.dma_semaphore, #tpu.memory_space<semaphore_mem>>
      tpu.enqueue_indirect_dma source(%arg10 : memref<80x16xf32, #tpu.memory_space<vmem>>) target(%dma_start3A_780 : memref<10000x16xf32, #tpu.memory_space<vmem_shared>>) offsets(%dma_start3A_777 : memref<80xi32, #tpu.memory_space<vmem>>) semaphore(%dma_start3A_782 : memref<!tpu.dma_semaphore, #tpu.memory_space<semaphore_mem>>) {add = true}
      %add3A_783 = arith.constant 1 : i32
      %add3A_784 = arith.addi %scan3A_587, %add3A_783 : i32
      %mul3A_785 = arith.constant 3 : i32
      %mul3A_786 = arith.muli %add3A_784, %mul3A_785 : i32
      %add3A_787 = arith.constant 0 : i32
      %add3A_788 = arith.addi %mul3A_786, %add3A_787 : i32
      %dma_wait3A_789 = arith.constant 0 : i32
      %dma_wait3A_790 = arith.constant 0 : i32
      %dma_wait3A_791 = arith.constant 0 : i32
      %dma_wait3A_792 = arith.constant 0 : i32
      %dma_wait3A_793 = arith.constant 0 : i32
      %dma_wait3A_794 = tpu.memref_slice %arg8[%dma_wait3A_789, %dma_wait3A_792, %dma_wait3A_793] : memref<3x80x128xf32, #tpu.memory_space<vmem>> -> memref<1x80x128xf32, #tpu.memory_space<vmem>>
      %dma_wait3A_795 = tpu.memref_squeeze %dma_wait3A_794 : memref<1x80x128xf32, #tpu.memory_space<vmem>> -> memref<80x128xf32, #tpu.memory_space<vmem>>
      %dma_wait3A_796 = arith.constant 0 : i32
      %dma_wait3A_797 = tpu.memref_slice %arg9[%dma_wait3A_790, %dma_wait3A_796] : memref<3x80xi32, #tpu.memory_space<vmem>> -> memref<1x80xi32, #tpu.memory_space<vmem>>
      %dma_wait3A_798 = tpu.memref_squeeze %dma_wait3A_797 : memref<1x80xi32, #tpu.memory_space<vmem>> -> memref<80xi32, #tpu.memory_space<vmem>>
      %dma_wait3A_799 = arith.constant 0 : i32
      %dma_wait3A_800 = arith.constant 0 : i32
      %dma_wait3A_801 = tpu.memref_slice %arg6[%dma_wait3A_799, %dma_wait3A_800] : memref<10000x128xf32, #tpu.memory_space<vmem_shared>> -> memref<10000x128xf32, #tpu.memory_space<vmem_shared>>
      %dma_wait3A_802 = tpu.memref_slice %arg13[%dma_wait3A_791] : memref<3x!tpu.dma_semaphore, #tpu.memory_space<semaphore_mem>> -> memref<1x!tpu.dma_semaphore, #tpu.memory_space<semaphore_mem>>
      %dma_wait3A_803 = tpu.memref_squeeze %dma_wait3A_802 : memref<1x!tpu.dma_semaphore, #tpu.memory_space<semaphore_mem>> -> memref<!tpu.dma_semaphore, #tpu.memory_space<semaphore_mem>>
      tpu.wait_indirect_dma semaphore(%dma_wait3A_803 : memref<!tpu.dma_semaphore, #tpu.memory_space<semaphore_mem>>) src(%dma_wait3A_795 : memref<80x128xf32, #tpu.memory_space<vmem>>) dst(%dma_wait3A_801 : memref<10000x128xf32, #tpu.memory_space<vmem_shared>>)
      %dma_wait3A_804 = arith.constant 0 : i32
      %dma_wait3A_805 = arith.constant 0 : i32
      %dma_wait3A_806 = arith.constant 0 : i32
      %dma_wait3A_807 = tpu.memref_slice %arg9[%dma_wait3A_804, %dma_wait3A_806] : memref<3x80xi32, #tpu.memory_space<vmem>> -> memref<1x80xi32, #tpu.memory_space<vmem>>
      %dma_wait3A_808 = tpu.memref_squeeze %dma_wait3A_807 : memref<1x80xi32, #tpu.memory_space<vmem>> -> memref<80xi32, #tpu.memory_space<vmem>>
      %dma_wait3A_809 = arith.constant 0 : i32
      %dma_wait3A_810 = arith.constant 0 : i32
      %dma_wait3A_811 = tpu.memref_slice %arg7[%dma_wait3A_809, %dma_wait3A_810] : memref<10000x16xf32, #tpu.memory_space<vmem_shared>> -> memref<10000x16xf32, #tpu.memory_space<vmem_shared>>
      %dma_wait3A_812 = tpu.memref_slice %arg13[%dma_wait3A_805] : memref<3x!tpu.dma_semaphore, #tpu.memory_space<semaphore_mem>> -> memref<1x!tpu.dma_semaphore, #tpu.memory_space<semaphore_mem>>
      %dma_wait3A_813 = tpu.memref_squeeze %dma_wait3A_812 : memref<1x!tpu.dma_semaphore, #tpu.memory_space<semaphore_mem>> -> memref<!tpu.dma_semaphore, #tpu.memory_space<semaphore_mem>>
      tpu.wait_indirect_dma semaphore(%dma_wait3A_813 : memref<!tpu.dma_semaphore, #tpu.memory_space<semaphore_mem>>) src(%arg10 : memref<80x16xf32, #tpu.memory_space<vmem>>) dst(%dma_wait3A_811 : memref<10000x16xf32, #tpu.memory_space<vmem_shared>>)
      %lt3A = arith.constant 125 : i32
      %lt3A_814 = arith.cmpi slt, %add3A_788, %lt3A : i32
      %convert_element_type3A_815 = arith.extui %lt3A_814 : i1 to i32
      %cond3A_816 = arith.constant 0 : i32
      %cond3A_817 = arith.cmpi ne, %convert_element_type3A_815, %cond3A_816 : i32
      scf.if %cond3A_817 {
        %mul3A_890 = arith.constant 80 : i32
        %mul3A_891 = arith.muli %add3A_788, %mul3A_890 : i32
        %add3A_892 = arith.addi %mul3A_2, %mul3A_891 : i32
        %dma_start3A_893 = arith.constant 0 : i32
        %dma_start3A_894 = arith.constant 0 : i32
        %dma_start3A_895 = arith.constant 0 : i32
        %dma_start3A_896 = arith.constant 0 : i32
        %dma_start3A_897 = tpu.memref_slice %arg8[%dma_start3A_893, %dma_start3A_895, %dma_start3A_896] : memref<3x80x128xf32, #tpu.memory_space<vmem>> -> memref<1x80x128xf32, #tpu.memory_space<vmem>>
        %dma_start3A_898 = tpu.memref_squeeze %dma_start3A_897 : memref<1x80x128xf32, #tpu.memory_space<vmem>> -> memref<80x128xf32, #tpu.memory_space<vmem>>
        %dma_start3A_899 = arith.constant 0 : i32
        %dma_start3A_900 = tpu.memref_slice %arg2[%add3A_892, %dma_start3A_899] : memref<320000x128xf32, #tpu.memory_space<hbm>> -> memref<80x128xf32, #tpu.memory_space<hbm>>
        %dma_start3A_901 = tpu.memref_slice %arg12[%dma_start3A_894] : memref<3x!tpu.dma_semaphore, #tpu.memory_space<semaphore_mem>> -> memref<1x!tpu.dma_semaphore, #tpu.memory_space<semaphore_mem>>
        %dma_start3A_902 = tpu.memref_squeeze %dma_start3A_901 : memref<1x!tpu.dma_semaphore, #tpu.memory_space<semaphore_mem>> -> memref<!tpu.dma_semaphore, #tpu.memory_space<semaphore_mem>>
        %dma_start3A_903 = arith.constant 0 : i32
        %dma_start3A_904 = arith.constant 0 : i32
        %dma_start3A_905 = tpu.memref_slice %arg8[%dma_start3A_893, %dma_start3A_903, %dma_start3A_904] : memref<3x80x128xf32, #tpu.memory_space<vmem>> -> memref<1x80x128xf32, #tpu.memory_space<vmem>>
        %dma_start3A_906 = tpu.memref_squeeze %dma_start3A_905 : memref<1x80x128xf32, #tpu.memory_space<vmem>> -> memref<80x128xf32, #tpu.memory_space<vmem>>
        %dma_start3A_907 = arith.constant 0 : i32
        %dma_start3A_908 = tpu.memref_slice %arg2[%add3A_892, %dma_start3A_907] : memref<320000x128xf32, #tpu.memory_space<hbm>> -> memref<80x128xf32, #tpu.memory_space<hbm>>
        tpu.enqueue_dma source(%dma_start3A_908 : memref<80x128xf32, #tpu.memory_space<hbm>>) target(%dma_start3A_906 : memref<80x128xf32, #tpu.memory_space<vmem>>) target_semaphore(%dma_start3A_902 : memref<!tpu.dma_semaphore, #tpu.memory_space<semaphore_mem>>)
        %add3A_909 = arith.addi %mul3A_4, %add3A_788 : i32
        %dma_start3A_910 = arith.constant 0 : i32
        %dma_start3A_911 = arith.constant 0 : i32
        %dma_start3A_912 = arith.constant 0 : i32
        %dma_start3A_913 = tpu.memref_slice %arg9[%dma_start3A_910, %dma_start3A_912] : memref<3x80xi32, #tpu.memory_space<vmem>> -> memref<1x80xi32, #tpu.memory_space<vmem>>
        %dma_start3A_914 = tpu.memref_squeeze %dma_start3A_913 : memref<1x80xi32, #tpu.memory_space<vmem>> -> memref<80xi32, #tpu.memory_space<vmem>>
        %dma_start3A_915 = arith.constant 0 : i32
        %dma_start3A_916 = tpu.memref_slice %arg3[%add3A_909, %dma_start3A_915] : memref<4000x80xi32, #tpu.memory_space<hbm>> -> memref<1x80xi32, #tpu.memory_space<hbm>>
        %dma_start3A_917 = tpu.memref_squeeze %dma_start3A_916 : memref<1x80xi32, #tpu.memory_space<hbm>> -> memref<80xi32, #tpu.memory_space<hbm>>
        %dma_start3A_918 = tpu.memref_slice %arg12[%dma_start3A_911] : memref<3x!tpu.dma_semaphore, #tpu.memory_space<semaphore_mem>> -> memref<1x!tpu.dma_semaphore, #tpu.memory_space<semaphore_mem>>
        %dma_start3A_919 = tpu.memref_squeeze %dma_start3A_918 : memref<1x!tpu.dma_semaphore, #tpu.memory_space<semaphore_mem>> -> memref<!tpu.dma_semaphore, #tpu.memory_space<semaphore_mem>>
        %dma_start3A_920 = arith.constant 0 : i32
        %dma_start3A_921 = tpu.memref_slice %arg9[%dma_start3A_910, %dma_start3A_920] : memref<3x80xi32, #tpu.memory_space<vmem>> -> memref<1x80xi32, #tpu.memory_space<vmem>>
        %dma_start3A_922 = tpu.memref_squeeze %dma_start3A_921 : memref<1x80xi32, #tpu.memory_space<vmem>> -> memref<80xi32, #tpu.memory_space<vmem>>
        %dma_start3A_923 = arith.constant 0 : i32
        %dma_start3A_924 = tpu.memref_slice %arg3[%add3A_909, %dma_start3A_923] : memref<4000x80xi32, #tpu.memory_space<hbm>> -> memref<1x80xi32, #tpu.memory_space<hbm>>
        %dma_start3A_925 = tpu.memref_squeeze %dma_start3A_924 : memref<1x80xi32, #tpu.memory_space<hbm>> -> memref<80xi32, #tpu.memory_space<hbm>>
        tpu.enqueue_dma source(%dma_start3A_925 : memref<80xi32, #tpu.memory_space<hbm>>) target(%dma_start3A_922 : memref<80xi32, #tpu.memory_space<vmem>>) target_semaphore(%dma_start3A_919 : memref<!tpu.dma_semaphore, #tpu.memory_space<semaphore_mem>>)
      } else {
      }
      %add3A_818 = arith.constant 1 : i32
      %add3A_819 = arith.addi %scan3A_587, %add3A_818 : i32
      %mul3A_820 = arith.constant 3 : i32
      %mul3A_821 = arith.muli %add3A_819, %mul3A_820 : i32
      %add3A_822 = arith.constant 1 : i32
      %add3A_823 = arith.addi %mul3A_821, %add3A_822 : i32
      %dma_wait3A_824 = arith.constant 1 : i32
      %dma_wait3A_825 = arith.constant 1 : i32
      %dma_wait3A_826 = arith.constant 1 : i32
      %dma_wait3A_827 = arith.constant 0 : i32
      %dma_wait3A_828 = arith.constant 0 : i32
      %dma_wait3A_829 = tpu.memref_slice %arg8[%dma_wait3A_824, %dma_wait3A_827, %dma_wait3A_828] : memref<3x80x128xf32, #tpu.memory_space<vmem>> -> memref<1x80x128xf32, #tpu.memory_space<vmem>>
      %dma_wait3A_830 = tpu.memref_squeeze %dma_wait3A_829 : memref<1x80x128xf32, #tpu.memory_space<vmem>> -> memref<80x128xf32, #tpu.memory_space<vmem>>
      %dma_wait3A_831 = arith.constant 0 : i32
      %dma_wait3A_832 = tpu.memref_slice %arg9[%dma_wait3A_825, %dma_wait3A_831] : memref<3x80xi32, #tpu.memory_space<vmem>> -> memref<1x80xi32, #tpu.memory_space<vmem>>
      %dma_wait3A_833 = tpu.memref_squeeze %dma_wait3A_832 : memref<1x80xi32, #tpu.memory_space<vmem>> -> memref<80xi32, #tpu.memory_space<vmem>>
      %dma_wait3A_834 = arith.constant 0 : i32
      %dma_wait3A_835 = arith.constant 0 : i32
      %dma_wait3A_836 = tpu.memref_slice %arg6[%dma_wait3A_834, %dma_wait3A_835] : memref<10000x128xf32, #tpu.memory_space<vmem_shared>> -> memref<10000x128xf32, #tpu.memory_space<vmem_shared>>
      %dma_wait3A_837 = tpu.memref_slice %arg13[%dma_wait3A_826] : memref<3x!tpu.dma_semaphore, #tpu.memory_space<semaphore_mem>> -> memref<1x!tpu.dma_semaphore, #tpu.memory_space<semaphore_mem>>
      %dma_wait3A_838 = tpu.memref_squeeze %dma_wait3A_837 : memref<1x!tpu.dma_semaphore, #tpu.memory_space<semaphore_mem>> -> memref<!tpu.dma_semaphore, #tpu.memory_space<semaphore_mem>>
      tpu.wait_indirect_dma semaphore(%dma_wait3A_838 : memref<!tpu.dma_semaphore, #tpu.memory_space<semaphore_mem>>) src(%dma_wait3A_830 : memref<80x128xf32, #tpu.memory_space<vmem>>) dst(%dma_wait3A_836 : memref<10000x128xf32, #tpu.memory_space<vmem_shared>>)
      %dma_wait3A_839 = arith.constant 1 : i32
      %dma_wait3A_840 = arith.constant 1 : i32
      %dma_wait3A_841 = arith.constant 0 : i32
      %dma_wait3A_842 = tpu.memref_slice %arg9[%dma_wait3A_839, %dma_wait3A_841] : memref<3x80xi32, #tpu.memory_space<vmem>> -> memref<1x80xi32, #tpu.memory_space<vmem>>
      %dma_wait3A_843 = tpu.memref_squeeze %dma_wait3A_842 : memref<1x80xi32, #tpu.memory_space<vmem>> -> memref<80xi32, #tpu.memory_space<vmem>>
      %dma_wait3A_844 = arith.constant 0 : i32
      %dma_wait3A_845 = arith.constant 0 : i32
      %dma_wait3A_846 = tpu.memref_slice %arg7[%dma_wait3A_844, %dma_wait3A_845] : memref<10000x16xf32, #tpu.memory_space<vmem_shared>> -> memref<10000x16xf32, #tpu.memory_space<vmem_shared>>
      %dma_wait3A_847 = tpu.memref_slice %arg13[%dma_wait3A_840] : memref<3x!tpu.dma_semaphore, #tpu.memory_space<semaphore_mem>> -> memref<1x!tpu.dma_semaphore, #tpu.memory_space<semaphore_mem>>
      %dma_wait3A_848 = tpu.memref_squeeze %dma_wait3A_847 : memref<1x!tpu.dma_semaphore, #tpu.memory_space<semaphore_mem>> -> memref<!tpu.dma_semaphore, #tpu.memory_space<semaphore_mem>>
      tpu.wait_indirect_dma semaphore(%dma_wait3A_848 : memref<!tpu.dma_semaphore, #tpu.memory_space<semaphore_mem>>) src(%arg10 : memref<80x16xf32, #tpu.memory_space<vmem>>) dst(%dma_wait3A_846 : memref<10000x16xf32, #tpu.memory_space<vmem_shared>>)
      %lt3A_849 = arith.constant 125 : i32
      %lt3A_850 = arith.cmpi slt, %add3A_823, %lt3A_849 : i32
      %convert_element_type3A_851 = arith.extui %lt3A_850 : i1 to i32
      %cond3A_852 = arith.constant 0 : i32
      %cond3A_853 = arith.cmpi ne, %convert_element_type3A_851, %cond3A_852 : i32
      scf.if %cond3A_853 {
        %mul3A_890 = arith.constant 80 : i32
        %mul3A_891 = arith.muli %add3A_823, %mul3A_890 : i32
        %add3A_892 = arith.addi %mul3A_2, %mul3A_891 : i32
        %dma_start3A_893 = arith.constant 1 : i32
        %dma_start3A_894 = arith.constant 1 : i32
        %dma_start3A_895 = arith.constant 0 : i32
        %dma_start3A_896 = arith.constant 0 : i32
        %dma_start3A_897 = tpu.memref_slice %arg8[%dma_start3A_893, %dma_start3A_895, %dma_start3A_896] : memref<3x80x128xf32, #tpu.memory_space<vmem>> -> memref<1x80x128xf32, #tpu.memory_space<vmem>>
        %dma_start3A_898 = tpu.memref_squeeze %dma_start3A_897 : memref<1x80x128xf32, #tpu.memory_space<vmem>> -> memref<80x128xf32, #tpu.memory_space<vmem>>
        %dma_start3A_899 = arith.constant 0 : i32
        %dma_start3A_900 = tpu.memref_slice %arg2[%add3A_892, %dma_start3A_899] : memref<320000x128xf32, #tpu.memory_space<hbm>> -> memref<80x128xf32, #tpu.memory_space<hbm>>
        %dma_start3A_901 = tpu.memref_slice %arg12[%dma_start3A_894] : memref<3x!tpu.dma_semaphore, #tpu.memory_space<semaphore_mem>> -> memref<1x!tpu.dma_semaphore, #tpu.memory_space<semaphore_mem>>
        %dma_start3A_902 = tpu.memref_squeeze %dma_start3A_901 : memref<1x!tpu.dma_semaphore, #tpu.memory_space<semaphore_mem>> -> memref<!tpu.dma_semaphore, #tpu.memory_space<semaphore_mem>>
        %dma_start3A_903 = arith.constant 0 : i32
        %dma_start3A_904 = arith.constant 0 : i32
        %dma_start3A_905 = tpu.memref_slice %arg8[%dma_start3A_893, %dma_start3A_903, %dma_start3A_904] : memref<3x80x128xf32, #tpu.memory_space<vmem>> -> memref<1x80x128xf32, #tpu.memory_space<vmem>>
        %dma_start3A_906 = tpu.memref_squeeze %dma_start3A_905 : memref<1x80x128xf32, #tpu.memory_space<vmem>> -> memref<80x128xf32, #tpu.memory_space<vmem>>
        %dma_start3A_907 = arith.constant 0 : i32
        %dma_start3A_908 = tpu.memref_slice %arg2[%add3A_892, %dma_start3A_907] : memref<320000x128xf32, #tpu.memory_space<hbm>> -> memref<80x128xf32, #tpu.memory_space<hbm>>
        tpu.enqueue_dma source(%dma_start3A_908 : memref<80x128xf32, #tpu.memory_space<hbm>>) target(%dma_start3A_906 : memref<80x128xf32, #tpu.memory_space<vmem>>) target_semaphore(%dma_start3A_902 : memref<!tpu.dma_semaphore, #tpu.memory_space<semaphore_mem>>)
        %add3A_909 = arith.addi %mul3A_4, %add3A_823 : i32
        %dma_start3A_910 = arith.constant 1 : i32
        %dma_start3A_911 = arith.constant 1 : i32
        %dma_start3A_912 = arith.constant 0 : i32
        %dma_start3A_913 = tpu.memref_slice %arg9[%dma_start3A_910, %dma_start3A_912] : memref<3x80xi32, #tpu.memory_space<vmem>> -> memref<1x80xi32, #tpu.memory_space<vmem>>
        %dma_start3A_914 = tpu.memref_squeeze %dma_start3A_913 : memref<1x80xi32, #tpu.memory_space<vmem>> -> memref<80xi32, #tpu.memory_space<vmem>>
        %dma_start3A_915 = arith.constant 0 : i32
        %dma_start3A_916 = tpu.memref_slice %arg3[%add3A_909, %dma_start3A_915] : memref<4000x80xi32, #tpu.memory_space<hbm>> -> memref<1x80xi32, #tpu.memory_space<hbm>>
        %dma_start3A_917 = tpu.memref_squeeze %dma_start3A_916 : memref<1x80xi32, #tpu.memory_space<hbm>> -> memref<80xi32, #tpu.memory_space<hbm>>
        %dma_start3A_918 = tpu.memref_slice %arg12[%dma_start3A_911] : memref<3x!tpu.dma_semaphore, #tpu.memory_space<semaphore_mem>> -> memref<1x!tpu.dma_semaphore, #tpu.memory_space<semaphore_mem>>
        %dma_start3A_919 = tpu.memref_squeeze %dma_start3A_918 : memref<1x!tpu.dma_semaphore, #tpu.memory_space<semaphore_mem>> -> memref<!tpu.dma_semaphore, #tpu.memory_space<semaphore_mem>>
        %dma_start3A_920 = arith.constant 0 : i32
        %dma_start3A_921 = tpu.memref_slice %arg9[%dma_start3A_910, %dma_start3A_920] : memref<3x80xi32, #tpu.memory_space<vmem>> -> memref<1x80xi32, #tpu.memory_space<vmem>>
        %dma_start3A_922 = tpu.memref_squeeze %dma_start3A_921 : memref<1x80xi32, #tpu.memory_space<vmem>> -> memref<80xi32, #tpu.memory_space<vmem>>
        %dma_start3A_923 = arith.constant 0 : i32
        %dma_start3A_924 = tpu.memref_slice %arg3[%add3A_909, %dma_start3A_923] : memref<4000x80xi32, #tpu.memory_space<hbm>> -> memref<1x80xi32, #tpu.memory_space<hbm>>
        %dma_start3A_925 = tpu.memref_squeeze %dma_start3A_924 : memref<1x80xi32, #tpu.memory_space<hbm>> -> memref<80xi32, #tpu.memory_space<hbm>>
        tpu.enqueue_dma source(%dma_start3A_925 : memref<80xi32, #tpu.memory_space<hbm>>) target(%dma_start3A_922 : memref<80xi32, #tpu.memory_space<vmem>>) target_semaphore(%dma_start3A_919 : memref<!tpu.dma_semaphore, #tpu.memory_space<semaphore_mem>>)
      } else {
      }
      %add3A_854 = arith.constant 1 : i32
      %add3A_855 = arith.addi %scan3A_587, %add3A_854 : i32
      %mul3A_856 = arith.constant 3 : i32
      %mul3A_857 = arith.muli %add3A_855, %mul3A_856 : i32
      %add3A_858 = arith.constant 2 : i32
      %add3A_859 = arith.addi %mul3A_857, %add3A_858 : i32
      %dma_wait3A_860 = arith.constant 2 : i32
      %dma_wait3A_861 = arith.constant 2 : i32
      %dma_wait3A_862 = arith.constant 2 : i32
      %dma_wait3A_863 = arith.constant 0 : i32
      %dma_wait3A_864 = arith.constant 0 : i32
      %dma_wait3A_865 = tpu.memref_slice %arg8[%dma_wait3A_860, %dma_wait3A_863, %dma_wait3A_864] : memref<3x80x128xf32, #tpu.memory_space<vmem>> -> memref<1x80x128xf32, #tpu.memory_space<vmem>>
      %dma_wait3A_866 = tpu.memref_squeeze %dma_wait3A_865 : memref<1x80x128xf32, #tpu.memory_space<vmem>> -> memref<80x128xf32, #tpu.memory_space<vmem>>
      %dma_wait3A_867 = arith.constant 0 : i32
      %dma_wait3A_868 = tpu.memref_slice %arg9[%dma_wait3A_861, %dma_wait3A_867] : memref<3x80xi32, #tpu.memory_space<vmem>> -> memref<1x80xi32, #tpu.memory_space<vmem>>
      %dma_wait3A_869 = tpu.memref_squeeze %dma_wait3A_868 : memref<1x80xi32, #tpu.memory_space<vmem>> -> memref<80xi32, #tpu.memory_space<vmem>>
      %dma_wait3A_870 = arith.constant 0 : i32
      %dma_wait3A_871 = arith.constant 0 : i32
      %dma_wait3A_872 = tpu.memref_slice %arg6[%dma_wait3A_870, %dma_wait3A_871] : memref<10000x128xf32, #tpu.memory_space<vmem_shared>> -> memref<10000x128xf32, #tpu.memory_space<vmem_shared>>
      %dma_wait3A_873 = tpu.memref_slice %arg13[%dma_wait3A_862] : memref<3x!tpu.dma_semaphore, #tpu.memory_space<semaphore_mem>> -> memref<1x!tpu.dma_semaphore, #tpu.memory_space<semaphore_mem>>
      %dma_wait3A_874 = tpu.memref_squeeze %dma_wait3A_873 : memref<1x!tpu.dma_semaphore, #tpu.memory_space<semaphore_mem>> -> memref<!tpu.dma_semaphore, #tpu.memory_space<semaphore_mem>>
      tpu.wait_indirect_dma semaphore(%dma_wait3A_874 : memref<!tpu.dma_semaphore, #tpu.memory_space<semaphore_mem>>) src(%dma_wait3A_866 : memref<80x128xf32, #tpu.memory_space<vmem>>) dst(%dma_wait3A_872 : memref<10000x128xf32, #tpu.memory_space<vmem_shared>>)
      %dma_wait3A_875 = arith.constant 2 : i32
      %dma_wait3A_876 = arith.constant 2 : i32
      %dma_wait3A_877 = arith.constant 0 : i32
      %dma_wait3A_878 = tpu.memref_slice %arg9[%dma_wait3A_875, %dma_wait3A_877] : memref<3x80xi32, #tpu.memory_space<vmem>> -> memref<1x80xi32, #tpu.memory_space<vmem>>
      %dma_wait3A_879 = tpu.memref_squeeze %dma_wait3A_878 : memref<1x80xi32, #tpu.memory_space<vmem>> -> memref<80xi32, #tpu.memory_space<vmem>>
      %dma_wait3A_880 = arith.constant 0 : i32
      %dma_wait3A_881 = arith.constant 0 : i32
      %dma_wait3A_882 = tpu.memref_slice %arg7[%dma_wait3A_880, %dma_wait3A_881] : memref<10000x16xf32, #tpu.memory_space<vmem_shared>> -> memref<10000x16xf32, #tpu.memory_space<vmem_shared>>
      %dma_wait3A_883 = tpu.memref_slice %arg13[%dma_wait3A_876] : memref<3x!tpu.dma_semaphore, #tpu.memory_space<semaphore_mem>> -> memref<1x!tpu.dma_semaphore, #tpu.memory_space<semaphore_mem>>
      %dma_wait3A_884 = tpu.memref_squeeze %dma_wait3A_883 : memref<1x!tpu.dma_semaphore, #tpu.memory_space<semaphore_mem>> -> memref<!tpu.dma_semaphore, #tpu.memory_space<semaphore_mem>>
      tpu.wait_indirect_dma semaphore(%dma_wait3A_884 : memref<!tpu.dma_semaphore, #tpu.memory_space<semaphore_mem>>) src(%arg10 : memref<80x16xf32, #tpu.memory_space<vmem>>) dst(%dma_wait3A_882 : memref<10000x16xf32, #tpu.memory_space<vmem_shared>>)
      %lt3A_885 = arith.constant 125 : i32
      %lt3A_886 = arith.cmpi slt, %add3A_859, %lt3A_885 : i32
      %convert_element_type3A_887 = arith.extui %lt3A_886 : i1 to i32
      %cond3A_888 = arith.constant 0 : i32
      %cond3A_889 = arith.cmpi ne, %convert_element_type3A_887, %cond3A_888 : i32
      scf.if %cond3A_889 {
        %mul3A_890 = arith.constant 80 : i32
        %mul3A_891 = arith.muli %add3A_859, %mul3A_890 : i32
        %add3A_892 = arith.addi %mul3A_2, %mul3A_891 : i32
        %dma_start3A_893 = arith.constant 2 : i32
        %dma_start3A_894 = arith.constant 2 : i32
        %dma_start3A_895 = arith.constant 0 : i32
        %dma_start3A_896 = arith.constant 0 : i32
        %dma_start3A_897 = tpu.memref_slice %arg8[%dma_start3A_893, %dma_start3A_895, %dma_start3A_896] : memref<3x80x128xf32, #tpu.memory_space<vmem>> -> memref<1x80x128xf32, #tpu.memory_space<vmem>>
        %dma_start3A_898 = tpu.memref_squeeze %dma_start3A_897 : memref<1x80x128xf32, #tpu.memory_space<vmem>> -> memref<80x128xf32, #tpu.memory_space<vmem>>
        %dma_start3A_899 = arith.constant 0 : i32
        %dma_start3A_900 = tpu.memref_slice %arg2[%add3A_892, %dma_start3A_899] : memref<320000x128xf32, #tpu.memory_space<hbm>> -> memref<80x128xf32, #tpu.memory_space<hbm>>
        %dma_start3A_901 = tpu.memref_slice %arg12[%dma_start3A_894] : memref<3x!tpu.dma_semaphore, #tpu.memory_space<semaphore_mem>> -> memref<1x!tpu.dma_semaphore, #tpu.memory_space<semaphore_mem>>
        %dma_start3A_902 = tpu.memref_squeeze %dma_start3A_901 : memref<1x!tpu.dma_semaphore, #tpu.memory_space<semaphore_mem>> -> memref<!tpu.dma_semaphore, #tpu.memory_space<semaphore_mem>>
        %dma_start3A_903 = arith.constant 0 : i32
        %dma_start3A_904 = arith.constant 0 : i32
        %dma_start3A_905 = tpu.memref_slice %arg8[%dma_start3A_893, %dma_start3A_903, %dma_start3A_904] : memref<3x80x128xf32, #tpu.memory_space<vmem>> -> memref<1x80x128xf32, #tpu.memory_space<vmem>>
        %dma_start3A_906 = tpu.memref_squeeze %dma_start3A_905 : memref<1x80x128xf32, #tpu.memory_space<vmem>> -> memref<80x128xf32, #tpu.memory_space<vmem>>
        %dma_start3A_907 = arith.constant 0 : i32
        %dma_start3A_908 = tpu.memref_slice %arg2[%add3A_892, %dma_start3A_907] : memref<320000x128xf32, #tpu.memory_space<hbm>> -> memref<80x128xf32, #tpu.memory_space<hbm>>
        tpu.enqueue_dma source(%dma_start3A_908 : memref<80x128xf32, #tpu.memory_space<hbm>>) target(%dma_start3A_906 : memref<80x128xf32, #tpu.memory_space<vmem>>) target_semaphore(%dma_start3A_902 : memref<!tpu.dma_semaphore, #tpu.memory_space<semaphore_mem>>)
        %add3A_909 = arith.addi %mul3A_4, %add3A_859 : i32
        %dma_start3A_910 = arith.constant 2 : i32
        %dma_start3A_911 = arith.constant 2 : i32
        %dma_start3A_912 = arith.constant 0 : i32
        %dma_start3A_913 = tpu.memref_slice %arg9[%dma_start3A_910, %dma_start3A_912] : memref<3x80xi32, #tpu.memory_space<vmem>> -> memref<1x80xi32, #tpu.memory_space<vmem>>
        %dma_start3A_914 = tpu.memref_squeeze %dma_start3A_913 : memref<1x80xi32, #tpu.memory_space<vmem>> -> memref<80xi32, #tpu.memory_space<vmem>>
        %dma_start3A_915 = arith.constant 0 : i32
        %dma_start3A_916 = tpu.memref_slice %arg3[%add3A_909, %dma_start3A_915] : memref<4000x80xi32, #tpu.memory_space<hbm>> -> memref<1x80xi32, #tpu.memory_space<hbm>>
        %dma_start3A_917 = tpu.memref_squeeze %dma_start3A_916 : memref<1x80xi32, #tpu.memory_space<hbm>> -> memref<80xi32, #tpu.memory_space<hbm>>
        %dma_start3A_918 = tpu.memref_slice %arg12[%dma_start3A_911] : memref<3x!tpu.dma_semaphore, #tpu.memory_space<semaphore_mem>> -> memref<1x!tpu.dma_semaphore, #tpu.memory_space<semaphore_mem>>
        %dma_start3A_919 = tpu.memref_squeeze %dma_start3A_918 : memref<1x!tpu.dma_semaphore, #tpu.memory_space<semaphore_mem>> -> memref<!tpu.dma_semaphore, #tpu.memory_space<semaphore_mem>>
        %dma_start3A_920 = arith.constant 0 : i32
        %dma_start3A_921 = tpu.memref_slice %arg9[%dma_start3A_910, %dma_start3A_920] : memref<3x80xi32, #tpu.memory_space<vmem>> -> memref<1x80xi32, #tpu.memory_space<vmem>>
        %dma_start3A_922 = tpu.memref_squeeze %dma_start3A_921 : memref<1x80xi32, #tpu.memory_space<vmem>> -> memref<80xi32, #tpu.memory_space<vmem>>
        %dma_start3A_923 = arith.constant 0 : i32
        %dma_start3A_924 = tpu.memref_slice %arg3[%add3A_909, %dma_start3A_923] : memref<4000x80xi32, #tpu.memory_space<hbm>> -> memref<1x80xi32, #tpu.memory_space<hbm>>
        %dma_start3A_925 = tpu.memref_squeeze %dma_start3A_924 : memref<1x80xi32, #tpu.memory_space<hbm>> -> memref<80xi32, #tpu.memory_space<hbm>>
        tpu.enqueue_dma source(%dma_start3A_925 : memref<80xi32, #tpu.memory_space<hbm>>) target(%dma_start3A_922 : memref<80xi32, #tpu.memory_space<vmem>>) target_semaphore(%dma_start3A_919 : memref<!tpu.dma_semaphore, #tpu.memory_space<semaphore_mem>>)
      } else {
      }
    }
    %scan3A_471 = arith.constant 41 : i32
    %add3A_472 = arith.constant 9840 : i32
    %add3A_473 = arith.addi %mul3A_2, %add3A_472 : i32
    %dma_wait3A_474 = arith.constant 0 : i32
    %dma_wait3A_475 = arith.constant 0 : i32
    %dma_wait3A_476 = arith.constant 0 : i32
    %dma_wait3A_477 = arith.constant 0 : i32
    %dma_wait3A_478 = tpu.memref_slice %arg8[%dma_wait3A_474, %dma_wait3A_476, %dma_wait3A_477] : memref<3x80x128xf32, #tpu.memory_space<vmem>> -> memref<1x80x128xf32, #tpu.memory_space<vmem>>
    %dma_wait3A_479 = tpu.memref_squeeze %dma_wait3A_478 : memref<1x80x128xf32, #tpu.memory_space<vmem>> -> memref<80x128xf32, #tpu.memory_space<vmem>>
    %dma_wait3A_480 = arith.constant 0 : i32
    %dma_wait3A_481 = tpu.memref_slice %arg2[%add3A_473, %dma_wait3A_480] : memref<320000x128xf32, #tpu.memory_space<hbm>> -> memref<80x128xf32, #tpu.memory_space<hbm>>
    %dma_wait3A_482 = tpu.memref_slice %arg12[%dma_wait3A_475] : memref<3x!tpu.dma_semaphore, #tpu.memory_space<semaphore_mem>> -> memref<1x!tpu.dma_semaphore, #tpu.memory_space<semaphore_mem>>
    %dma_wait3A_483 = tpu.memref_squeeze %dma_wait3A_482 : memref<1x!tpu.dma_semaphore, #tpu.memory_space<semaphore_mem>> -> memref<!tpu.dma_semaphore, #tpu.memory_space<semaphore_mem>>
    %dma_wait3A_484 = arith.constant 0 : i32
    %dma_wait3A_485 = arith.constant 0 : i32
    %dma_wait3A_486 = tpu.memref_slice %arg8[%dma_wait3A_474, %dma_wait3A_484, %dma_wait3A_485] : memref<3x80x128xf32, #tpu.memory_space<vmem>> -> memref<1x80x128xf32, #tpu.memory_space<vmem>>
    %dma_wait3A_487 = tpu.memref_squeeze %dma_wait3A_486 : memref<1x80x128xf32, #tpu.memory_space<vmem>> -> memref<80x128xf32, #tpu.memory_space<vmem>>
    %dma_wait3A_488 = arith.constant 0 : i32
    %dma_wait3A_489 = tpu.memref_slice %arg2[%add3A_473, %dma_wait3A_488] : memref<320000x128xf32, #tpu.memory_space<hbm>> -> memref<80x128xf32, #tpu.memory_space<hbm>>
    tpu.wait_dma2 semaphore(%dma_wait3A_483 : memref<!tpu.dma_semaphore, #tpu.memory_space<semaphore_mem>>) src(%dma_wait3A_489 : memref<80x128xf32, #tpu.memory_space<hbm>>) dst(%dma_wait3A_487 : memref<80x128xf32, #tpu.memory_space<vmem>>)
    %add3A_490 = arith.constant 123 : i32
    %add3A_491 = arith.addi %mul3A_4, %add3A_490 : i32
    %dma_wait3A_492 = arith.constant 0 : i32
    %dma_wait3A_493 = arith.constant 0 : i32
    %dma_wait3A_494 = arith.constant 0 : i32
    %dma_wait3A_495 = tpu.memref_slice %arg9[%dma_wait3A_492, %dma_wait3A_494] : memref<3x80xi32, #tpu.memory_space<vmem>> -> memref<1x80xi32, #tpu.memory_space<vmem>>
    %dma_wait3A_496 = tpu.memref_squeeze %dma_wait3A_495 : memref<1x80xi32, #tpu.memory_space<vmem>> -> memref<80xi32, #tpu.memory_space<vmem>>
    %dma_wait3A_497 = arith.constant 0 : i32
    %dma_wait3A_498 = tpu.memref_slice %arg3[%add3A_491, %dma_wait3A_497] : memref<4000x80xi32, #tpu.memory_space<hbm>> -> memref<1x80xi32, #tpu.memory_space<hbm>>
    %dma_wait3A_499 = tpu.memref_squeeze %dma_wait3A_498 : memref<1x80xi32, #tpu.memory_space<hbm>> -> memref<80xi32, #tpu.memory_space<hbm>>
    %dma_wait3A_500 = tpu.memref_slice %arg12[%dma_wait3A_493] : memref<3x!tpu.dma_semaphore, #tpu.memory_space<semaphore_mem>> -> memref<1x!tpu.dma_semaphore, #tpu.memory_space<semaphore_mem>>
    %dma_wait3A_501 = tpu.memref_squeeze %dma_wait3A_500 : memref<1x!tpu.dma_semaphore, #tpu.memory_space<semaphore_mem>> -> memref<!tpu.dma_semaphore, #tpu.memory_space<semaphore_mem>>
    %dma_wait3A_502 = arith.constant 0 : i32
    %dma_wait3A_503 = tpu.memref_slice %arg9[%dma_wait3A_492, %dma_wait3A_502] : memref<3x80xi32, #tpu.memory_space<vmem>> -> memref<1x80xi32, #tpu.memory_space<vmem>>
    %dma_wait3A_504 = tpu.memref_squeeze %dma_wait3A_503 : memref<1x80xi32, #tpu.memory_space<vmem>> -> memref<80xi32, #tpu.memory_space<vmem>>
    %dma_wait3A_505 = arith.constant 0 : i32
    %dma_wait3A_506 = tpu.memref_slice %arg3[%add3A_491, %dma_wait3A_505] : memref<4000x80xi32, #tpu.memory_space<hbm>> -> memref<1x80xi32, #tpu.memory_space<hbm>>
    %dma_wait3A_507 = tpu.memref_squeeze %dma_wait3A_506 : memref<1x80xi32, #tpu.memory_space<hbm>> -> memref<80xi32, #tpu.memory_space<hbm>>
    tpu.wait_dma2 semaphore(%dma_wait3A_501 : memref<!tpu.dma_semaphore, #tpu.memory_space<semaphore_mem>>) src(%dma_wait3A_507 : memref<80xi32, #tpu.memory_space<hbm>>) dst(%dma_wait3A_504 : memref<80xi32, #tpu.memory_space<vmem>>)
    %run_scoped3A = arith.constant 0 : i32
    %run_scoped3A_508 = arith.constant 0 : i32
    "tpu.region"() ({
      %run_scoped3A_587 = tpu.sem_alloc : memref<!tpu.dma_semaphore, #tpu.memory_space<semaphore_mem>>
      %dma_start3A_588 = arith.constant 0 : i32
      %dma_start3A_589 = arith.constant 0 : i32
      %dma_start3A_590 = tpu.memref_slice %arg8[%run_scoped3A, %dma_start3A_588, %dma_start3A_589] : memref<3x80x128xf32, #tpu.memory_space<vmem>> -> memref<1x80x128xf32, #tpu.memory_space<vmem>>
      %dma_start3A_591 = tpu.memref_squeeze %dma_start3A_590 : memref<1x80x128xf32, #tpu.memory_space<vmem>> -> memref<80x128xf32, #tpu.memory_space<vmem>>
      %dma_start3A_592 = arith.constant 0 : i32
      %dma_start3A_593 = tpu.memref_slice %arg9[%run_scoped3A_508, %dma_start3A_592] : memref<3x80xi32, #tpu.memory_space<vmem>> -> memref<1x80xi32, #tpu.memory_space<vmem>>
      %dma_start3A_594 = tpu.memref_squeeze %dma_start3A_593 : memref<1x80xi32, #tpu.memory_space<vmem>> -> memref<80xi32, #tpu.memory_space<vmem>>
      %dma_start3A_595 = arith.constant 0 : i32
      %dma_start3A_596 = arith.constant 0 : i32
      %dma_start3A_597 = tpu.memref_slice %arg6[%dma_start3A_595, %dma_start3A_596] : memref<10000x128xf32, #tpu.memory_space<vmem_shared>> -> memref<10000x128xf32, #tpu.memory_space<vmem_shared>>
      tpu.enqueue_indirect_dma source(%dma_start3A_591 : memref<80x128xf32, #tpu.memory_space<vmem>>) target(%dma_start3A_597 : memref<10000x128xf32, #tpu.memory_space<vmem_shared>>) offsets(%dma_start3A_594 : memref<80xi32, #tpu.memory_space<vmem>>) semaphore(%run_scoped3A_587 : memref<!tpu.dma_semaphore, #tpu.memory_space<semaphore_mem>>) {add = true}
      %dma_wait3A_598 = arith.constant 0 : i32
      %dma_wait3A_599 = arith.constant 0 : i32
      %dma_wait3A_600 = tpu.memref_slice %arg8[%run_scoped3A, %dma_wait3A_598, %dma_wait3A_599] : memref<3x80x128xf32, #tpu.memory_space<vmem>> -> memref<1x80x128xf32, #tpu.memory_space<vmem>>
      %dma_wait3A_601 = tpu.memref_squeeze %dma_wait3A_600 : memref<1x80x128xf32, #tpu.memory_space<vmem>> -> memref<80x128xf32, #tpu.memory_space<vmem>>
      %dma_wait3A_602 = arith.constant 0 : i32
      %dma_wait3A_603 = tpu.memref_slice %arg9[%run_scoped3A_508, %dma_wait3A_602] : memref<3x80xi32, #tpu.memory_space<vmem>> -> memref<1x80xi32, #tpu.memory_space<vmem>>
      %dma_wait3A_604 = tpu.memref_squeeze %dma_wait3A_603 : memref<1x80xi32, #tpu.memory_space<vmem>> -> memref<80xi32, #tpu.memory_space<vmem>>
      %dma_wait3A_605 = arith.constant 0 : i32
      %dma_wait3A_606 = arith.constant 0 : i32
      %dma_wait3A_607 = tpu.memref_slice %arg6[%dma_wait3A_605, %dma_wait3A_606] : memref<10000x128xf32, #tpu.memory_space<vmem_shared>> -> memref<10000x128xf32, #tpu.memory_space<vmem_shared>>
      tpu.wait_indirect_dma semaphore(%run_scoped3A_587 : memref<!tpu.dma_semaphore, #tpu.memory_space<semaphore_mem>>) src(%dma_wait3A_601 : memref<80x128xf32, #tpu.memory_space<vmem>>) dst(%dma_wait3A_607 : memref<10000x128xf32, #tpu.memory_space<vmem_shared>>)
      tpu.yield
    }) : () -> ()
    %run_scoped3A_509 = arith.constant 0 : i32
    "tpu.region"() ({
      %run_scoped3A_587 = tpu.sem_alloc : memref<!tpu.dma_semaphore, #tpu.memory_space<semaphore_mem>>
      %dma_start3A_588 = arith.constant 0 : i32
      %dma_start3A_589 = tpu.memref_slice %arg9[%run_scoped3A_509, %dma_start3A_588] : memref<3x80xi32, #tpu.memory_space<vmem>> -> memref<1x80xi32, #tpu.memory_space<vmem>>
      %dma_start3A_590 = tpu.memref_squeeze %dma_start3A_589 : memref<1x80xi32, #tpu.memory_space<vmem>> -> memref<80xi32, #tpu.memory_space<vmem>>
      %dma_start3A_591 = arith.constant 0 : i32
      %dma_start3A_592 = arith.constant 0 : i32
      %dma_start3A_593 = tpu.memref_slice %arg7[%dma_start3A_591, %dma_start3A_592] : memref<10000x16xf32, #tpu.memory_space<vmem_shared>> -> memref<10000x16xf32, #tpu.memory_space<vmem_shared>>
      tpu.enqueue_indirect_dma source(%arg10 : memref<80x16xf32, #tpu.memory_space<vmem>>) target(%dma_start3A_593 : memref<10000x16xf32, #tpu.memory_space<vmem_shared>>) offsets(%dma_start3A_590 : memref<80xi32, #tpu.memory_space<vmem>>) semaphore(%run_scoped3A_587 : memref<!tpu.dma_semaphore, #tpu.memory_space<semaphore_mem>>) {add = true}
      %dma_wait3A_594 = arith.constant 0 : i32
      %dma_wait3A_595 = tpu.memref_slice %arg9[%run_scoped3A_509, %dma_wait3A_594] : memref<3x80xi32, #tpu.memory_space<vmem>> -> memref<1x80xi32, #tpu.memory_space<vmem>>
      %dma_wait3A_596 = tpu.memref_squeeze %dma_wait3A_595 : memref<1x80xi32, #tpu.memory_space<vmem>> -> memref<80xi32, #tpu.memory_space<vmem>>
      %dma_wait3A_597 = arith.constant 0 : i32
      %dma_wait3A_598 = arith.constant 0 : i32
      %dma_wait3A_599 = tpu.memref_slice %arg7[%dma_wait3A_597, %dma_wait3A_598] : memref<10000x16xf32, #tpu.memory_space<vmem_shared>> -> memref<10000x16xf32, #tpu.memory_space<vmem_shared>>
      tpu.wait_indirect_dma semaphore(%run_scoped3A_587 : memref<!tpu.dma_semaphore, #tpu.memory_space<semaphore_mem>>) src(%arg10 : memref<80x16xf32, #tpu.memory_space<vmem>>) dst(%dma_wait3A_599 : memref<10000x16xf32, #tpu.memory_space<vmem_shared>>)
      tpu.yield
    }) : () -> ()
    %add3A_510 = arith.constant 9920 : i32
    %add3A_511 = arith.addi %mul3A_2, %add3A_510 : i32
    %dma_wait3A_512 = arith.constant 1 : i32
    %dma_wait3A_513 = arith.constant 1 : i32
    %dma_wait3A_514 = arith.constant 0 : i32
    %dma_wait3A_515 = arith.constant 0 : i32
    %dma_wait3A_516 = tpu.memref_slice %arg8[%dma_wait3A_512, %dma_wait3A_514, %dma_wait3A_515] : memref<3x80x128xf32, #tpu.memory_space<vmem>> -> memref<1x80x128xf32, #tpu.memory_space<vmem>>
    %dma_wait3A_517 = tpu.memref_squeeze %dma_wait3A_516 : memref<1x80x128xf32, #tpu.memory_space<vmem>> -> memref<80x128xf32, #tpu.memory_space<vmem>>
    %dma_wait3A_518 = arith.constant 0 : i32
    %dma_wait3A_519 = tpu.memref_slice %arg2[%add3A_511, %dma_wait3A_518] : memref<320000x128xf32, #tpu.memory_space<hbm>> -> memref<80x128xf32, #tpu.memory_space<hbm>>
    %dma_wait3A_520 = tpu.memref_slice %arg12[%dma_wait3A_513] : memref<3x!tpu.dma_semaphore, #tpu.memory_space<semaphore_mem>> -> memref<1x!tpu.dma_semaphore, #tpu.memory_space<semaphore_mem>>
    %dma_wait3A_521 = tpu.memref_squeeze %dma_wait3A_520 : memref<1x!tpu.dma_semaphore, #tpu.memory_space<semaphore_mem>> -> memref<!tpu.dma_semaphore, #tpu.memory_space<semaphore_mem>>
    %dma_wait3A_522 = arith.constant 0 : i32
    %dma_wait3A_523 = arith.constant 0 : i32
    %dma_wait3A_524 = tpu.memref_slice %arg8[%dma_wait3A_512, %dma_wait3A_522, %dma_wait3A_523] : memref<3x80x128xf32, #tpu.memory_space<vmem>> -> memref<1x80x128xf32, #tpu.memory_space<vmem>>
    %dma_wait3A_525 = tpu.memref_squeeze %dma_wait3A_524 : memref<1x80x128xf32, #tpu.memory_space<vmem>> -> memref<80x128xf32, #tpu.memory_space<vmem>>
    %dma_wait3A_526 = arith.constant 0 : i32
    %dma_wait3A_527 = tpu.memref_slice %arg2[%add3A_511, %dma_wait3A_526] : memref<320000x128xf32, #tpu.memory_space<hbm>> -> memref<80x128xf32, #tpu.memory_space<hbm>>
    tpu.wait_dma2 semaphore(%dma_wait3A_521 : memref<!tpu.dma_semaphore, #tpu.memory_space<semaphore_mem>>) src(%dma_wait3A_527 : memref<80x128xf32, #tpu.memory_space<hbm>>) dst(%dma_wait3A_525 : memref<80x128xf32, #tpu.memory_space<vmem>>)
    %add3A_528 = arith.constant 124 : i32
    %add3A_529 = arith.addi %mul3A_4, %add3A_528 : i32
    %dma_wait3A_530 = arith.constant 1 : i32
    %dma_wait3A_531 = arith.constant 1 : i32
    %dma_wait3A_532 = arith.constant 0 : i32
    %dma_wait3A_533 = tpu.memref_slice %arg9[%dma_wait3A_530, %dma_wait3A_532] : memref<3x80xi32, #tpu.memory_space<vmem>> -> memref<1x80xi32, #tpu.memory_space<vmem>>
    %dma_wait3A_534 = tpu.memref_squeeze %dma_wait3A_533 : memref<1x80xi32, #tpu.memory_space<vmem>> -> memref<80xi32, #tpu.memory_space<vmem>>
    %dma_wait3A_535 = arith.constant 0 : i32
    %dma_wait3A_536 = tpu.memref_slice %arg3[%add3A_529, %dma_wait3A_535] : memref<4000x80xi32, #tpu.memory_space<hbm>> -> memref<1x80xi32, #tpu.memory_space<hbm>>
    %dma_wait3A_537 = tpu.memref_squeeze %dma_wait3A_536 : memref<1x80xi32, #tpu.memory_space<hbm>> -> memref<80xi32, #tpu.memory_space<hbm>>
    %dma_wait3A_538 = tpu.memref_slice %arg12[%dma_wait3A_531] : memref<3x!tpu.dma_semaphore, #tpu.memory_space<semaphore_mem>> -> memref<1x!tpu.dma_semaphore, #tpu.memory_space<semaphore_mem>>
    %dma_wait3A_539 = tpu.memref_squeeze %dma_wait3A_538 : memref<1x!tpu.dma_semaphore, #tpu.memory_space<semaphore_mem>> -> memref<!tpu.dma_semaphore, #tpu.memory_space<semaphore_mem>>
    %dma_wait3A_540 = arith.constant 0 : i32
    %dma_wait3A_541 = tpu.memref_slice %arg9[%dma_wait3A_530, %dma_wait3A_540] : memref<3x80xi32, #tpu.memory_space<vmem>> -> memref<1x80xi32, #tpu.memory_space<vmem>>
    %dma_wait3A_542 = tpu.memref_squeeze %dma_wait3A_541 : memref<1x80xi32, #tpu.memory_space<vmem>> -> memref<80xi32, #tpu.memory_space<vmem>>
    %dma_wait3A_543 = arith.constant 0 : i32
    %dma_wait3A_544 = tpu.memref_slice %arg3[%add3A_529, %dma_wait3A_543] : memref<4000x80xi32, #tpu.memory_space<hbm>> -> memref<1x80xi32, #tpu.memory_space<hbm>>
    %dma_wait3A_545 = tpu.memref_squeeze %dma_wait3A_544 : memref<1x80xi32, #tpu.memory_space<hbm>> -> memref<80xi32, #tpu.memory_space<hbm>>
    tpu.wait_dma2 semaphore(%dma_wait3A_539 : memref<!tpu.dma_semaphore, #tpu.memory_space<semaphore_mem>>) src(%dma_wait3A_545 : memref<80xi32, #tpu.memory_space<hbm>>) dst(%dma_wait3A_542 : memref<80xi32, #tpu.memory_space<vmem>>)
    %run_scoped3A_546 = arith.constant 1 : i32
    %run_scoped3A_547 = arith.constant 1 : i32
    "tpu.region"() ({
      %run_scoped3A_587 = tpu.sem_alloc : memref<!tpu.dma_semaphore, #tpu.memory_space<semaphore_mem>>
      %dma_start3A_588 = arith.constant 0 : i32
      %dma_start3A_589 = arith.constant 0 : i32
      %dma_start3A_590 = tpu.memref_slice %arg8[%run_scoped3A_546, %dma_start3A_588, %dma_start3A_589] : memref<3x80x128xf32, #tpu.memory_space<vmem>> -> memref<1x80x128xf32, #tpu.memory_space<vmem>>
      %dma_start3A_591 = tpu.memref_squeeze %dma_start3A_590 : memref<1x80x128xf32, #tpu.memory_space<vmem>> -> memref<80x128xf32, #tpu.memory_space<vmem>>
      %dma_start3A_592 = arith.constant 0 : i32
      %dma_start3A_593 = tpu.memref_slice %arg9[%run_scoped3A_547, %dma_start3A_592] : memref<3x80xi32, #tpu.memory_space<vmem>> -> memref<1x80xi32, #tpu.memory_space<vmem>>
      %dma_start3A_594 = tpu.memref_squeeze %dma_start3A_593 : memref<1x80xi32, #tpu.memory_space<vmem>> -> memref<80xi32, #tpu.memory_space<vmem>>
      %dma_start3A_595 = arith.constant 0 : i32
      %dma_start3A_596 = arith.constant 0 : i32
      %dma_start3A_597 = tpu.memref_slice %arg6[%dma_start3A_595, %dma_start3A_596] : memref<10000x128xf32, #tpu.memory_space<vmem_shared>> -> memref<10000x128xf32, #tpu.memory_space<vmem_shared>>
      tpu.enqueue_indirect_dma source(%dma_start3A_591 : memref<80x128xf32, #tpu.memory_space<vmem>>) target(%dma_start3A_597 : memref<10000x128xf32, #tpu.memory_space<vmem_shared>>) offsets(%dma_start3A_594 : memref<80xi32, #tpu.memory_space<vmem>>) semaphore(%run_scoped3A_587 : memref<!tpu.dma_semaphore, #tpu.memory_space<semaphore_mem>>) {add = true}
      %dma_wait3A_598 = arith.constant 0 : i32
      %dma_wait3A_599 = arith.constant 0 : i32
      %dma_wait3A_600 = tpu.memref_slice %arg8[%run_scoped3A_546, %dma_wait3A_598, %dma_wait3A_599] : memref<3x80x128xf32, #tpu.memory_space<vmem>> -> memref<1x80x128xf32, #tpu.memory_space<vmem>>
      %dma_wait3A_601 = tpu.memref_squeeze %dma_wait3A_600 : memref<1x80x128xf32, #tpu.memory_space<vmem>> -> memref<80x128xf32, #tpu.memory_space<vmem>>
      %dma_wait3A_602 = arith.constant 0 : i32
      %dma_wait3A_603 = tpu.memref_slice %arg9[%run_scoped3A_547, %dma_wait3A_602] : memref<3x80xi32, #tpu.memory_space<vmem>> -> memref<1x80xi32, #tpu.memory_space<vmem>>
      %dma_wait3A_604 = tpu.memref_squeeze %dma_wait3A_603 : memref<1x80xi32, #tpu.memory_space<vmem>> -> memref<80xi32, #tpu.memory_space<vmem>>
      %dma_wait3A_605 = arith.constant 0 : i32
      %dma_wait3A_606 = arith.constant 0 : i32
      %dma_wait3A_607 = tpu.memref_slice %arg6[%dma_wait3A_605, %dma_wait3A_606] : memref<10000x128xf32, #tpu.memory_space<vmem_shared>> -> memref<10000x128xf32, #tpu.memory_space<vmem_shared>>
      tpu.wait_indirect_dma semaphore(%run_scoped3A_587 : memref<!tpu.dma_semaphore, #tpu.memory_space<semaphore_mem>>) src(%dma_wait3A_601 : memref<80x128xf32, #tpu.memory_space<vmem>>) dst(%dma_wait3A_607 : memref<10000x128xf32, #tpu.memory_space<vmem_shared>>)
      tpu.yield
    }) : () -> ()
    %run_scoped3A_548 = arith.constant 1 : i32
    "tpu.region"() ({
      %run_scoped3A_587 = tpu.sem_alloc : memref<!tpu.dma_semaphore, #tpu.memory_space<semaphore_mem>>
      %dma_start3A_588 = arith.constant 0 : i32
      %dma_start3A_589 = tpu.memref_slice %arg9[%run_scoped3A_548, %dma_start3A_588] : memref<3x80xi32, #tpu.memory_space<vmem>> -> memref<1x80xi32, #tpu.memory_space<vmem>>
      %dma_start3A_590 = tpu.memref_squeeze %dma_start3A_589 : memref<1x80xi32, #tpu.memory_space<vmem>> -> memref<80xi32, #tpu.memory_space<vmem>>
      %dma_start3A_591 = arith.constant 0 : i32
      %dma_start3A_592 = arith.constant 0 : i32
      %dma_start3A_593 = tpu.memref_slice %arg7[%dma_start3A_591, %dma_start3A_592] : memref<10000x16xf32, #tpu.memory_space<vmem_shared>> -> memref<10000x16xf32, #tpu.memory_space<vmem_shared>>
      tpu.enqueue_indirect_dma source(%arg10 : memref<80x16xf32, #tpu.memory_space<vmem>>) target(%dma_start3A_593 : memref<10000x16xf32, #tpu.memory_space<vmem_shared>>) offsets(%dma_start3A_590 : memref<80xi32, #tpu.memory_space<vmem>>) semaphore(%run_scoped3A_587 : memref<!tpu.dma_semaphore, #tpu.memory_space<semaphore_mem>>) {add = true}
      %dma_wait3A_594 = arith.constant 0 : i32
      %dma_wait3A_595 = tpu.memref_slice %arg9[%run_scoped3A_548, %dma_wait3A_594] : memref<3x80xi32, #tpu.memory_space<vmem>> -> memref<1x80xi32, #tpu.memory_space<vmem>>
      %dma_wait3A_596 = tpu.memref_squeeze %dma_wait3A_595 : memref<1x80xi32, #tpu.memory_space<vmem>> -> memref<80xi32, #tpu.memory_space<vmem>>
      %dma_wait3A_597 = arith.constant 0 : i32
      %dma_wait3A_598 = arith.constant 0 : i32
      %dma_wait3A_599 = tpu.memref_slice %arg7[%dma_wait3A_597, %dma_wait3A_598] : memref<10000x16xf32, #tpu.memory_space<vmem_shared>> -> memref<10000x16xf32, #tpu.memory_space<vmem_shared>>
      tpu.wait_indirect_dma semaphore(%run_scoped3A_587 : memref<!tpu.dma_semaphore, #tpu.memory_space<semaphore_mem>>) src(%arg10 : memref<80x16xf32, #tpu.memory_space<vmem>>) dst(%dma_wait3A_599 : memref<10000x16xf32, #tpu.memory_space<vmem_shared>>)
      tpu.yield
    }) : () -> ()
    %barrier3A_549 = arith.constant 0 : index
    tpu.barrier barrier_id(%barrier3A_549)
    %dma_start3A_550 = arith.constant 0 : i32
    %dma_start3A_551 = tpu.memref_slice %arg12[%dma_start3A_550] : memref<3x!tpu.dma_semaphore, #tpu.memory_space<semaphore_mem>> -> memref<1x!tpu.dma_semaphore, #tpu.memory_space<semaphore_mem>>
    %dma_start3A_552 = tpu.memref_squeeze %dma_start3A_551 : memref<1x!tpu.dma_semaphore, #tpu.memory_space<semaphore_mem>> -> memref<!tpu.dma_semaphore, #tpu.memory_space<semaphore_mem>>
    %dma_start3A_553 = arith.constant 0 : i32
    %dma_start3A_554 = tpu.memref_slice %arg4[%arg0, %mul3A_100, %dma_start3A_553] : memref<2x10000x128xf32, #tpu.memory_space<hbm>> -> memref<1x624x128xf32, #tpu.memory_space<hbm>>
    %dma_start3A_555 = tpu.memref_squeeze %dma_start3A_554 : memref<1x624x128xf32, #tpu.memory_space<hbm>> -> memref<624x128xf32, #tpu.memory_space<hbm>>
    %dma_start3A_556 = arith.constant 0 : i32
    %dma_start3A_557 = tpu.memref_slice %arg6[%mul3A_100, %dma_start3A_556] : memref<10000x128xf32, #tpu.memory_space<vmem_shared>> -> memref<624x128xf32, #tpu.memory_space<vmem_shared>>
    tpu.enqueue_dma source(%dma_start3A_557 : memref<624x128xf32, #tpu.memory_space<vmem_shared>>) target(%dma_start3A_555 : memref<624x128xf32, #tpu.memory_space<hbm>>) target_semaphore(%dma_start3A_552 : memref<!tpu.dma_semaphore, #tpu.memory_space<semaphore_mem>>)
    %dma_start3A_558 = arith.constant 0 : i32
    %dma_start3A_559 = tpu.memref_slice %arg12[%dma_start3A_558] : memref<3x!tpu.dma_semaphore, #tpu.memory_space<semaphore_mem>> -> memref<1x!tpu.dma_semaphore, #tpu.memory_space<semaphore_mem>>
    %dma_start3A_560 = tpu.memref_squeeze %dma_start3A_559 : memref<1x!tpu.dma_semaphore, #tpu.memory_space<semaphore_mem>> -> memref<!tpu.dma_semaphore, #tpu.memory_space<semaphore_mem>>
    %dma_start3A_561 = arith.constant 0 : i32
    %dma_start3A_562 = tpu.memref_slice %arg5[%arg0, %mul3A_100, %dma_start3A_561] : memref<2x10000x16xf32, #tpu.memory_space<hbm>> -> memref<1x624x16xf32, #tpu.memory_space<hbm>>
    %dma_start3A_563 = tpu.memref_squeeze %dma_start3A_562 : memref<1x624x16xf32, #tpu.memory_space<hbm>> -> memref<624x16xf32, #tpu.memory_space<hbm>>
    %dma_start3A_564 = arith.constant 0 : i32
    %dma_start3A_565 = tpu.memref_slice %arg7[%mul3A_100, %dma_start3A_564] : memref<10000x16xf32, #tpu.memory_space<vmem_shared>> -> memref<624x16xf32, #tpu.memory_space<vmem_shared>>
    tpu.enqueue_dma source(%dma_start3A_565 : memref<624x16xf32, #tpu.memory_space<vmem_shared>>) target(%dma_start3A_563 : memref<624x16xf32, #tpu.memory_space<hbm>>) target_semaphore(%dma_start3A_560 : memref<!tpu.dma_semaphore, #tpu.memory_space<semaphore_mem>>)
    %eq3A_566 = arith.constant 0 : i32
    %eq3A_567 = arith.cmpi eq, %arg1, %eq3A_566 : i32
    %convert_element_type3A_568 = arith.extui %eq3A_567 : i1 to i32
    %cond3A_569 = arith.constant 0 : i32
    %cond3A_570 = arith.cmpi ne, %convert_element_type3A_568, %cond3A_569 : i32
    scf.if %cond3A_570 {
      "tpu.region"() ({
        %run_scoped3A_587 = tpu.sem_alloc : memref<!tpu.dma_semaphore, #tpu.memory_space<semaphore_mem>>
        %dma_start3A_588 = arith.constant 9984 : i32
        %dma_start3A_589 = arith.constant 0 : i32
        %dma_start3A_590 = tpu.memref_slice %arg4[%arg0, %dma_start3A_588, %dma_start3A_589] : memref<2x10000x128xf32, #tpu.memory_space<hbm>> -> memref<1x16x128xf32, #tpu.memory_space<hbm>>
        %dma_start3A_591 = tpu.memref_squeeze %dma_start3A_590 : memref<1x16x128xf32, #tpu.memory_space<hbm>> -> memref<16x128xf32, #tpu.memory_space<hbm>>
        %dma_start3A_592 = arith.constant 9984 : i32
        %dma_start3A_593 = arith.constant 0 : i32
        %dma_start3A_594 = tpu.memref_slice %arg6[%dma_start3A_592, %dma_start3A_593] : memref<10000x128xf32, #tpu.memory_space<vmem_shared>> -> memref<16x128xf32, #tpu.memory_space<vmem_shared>>
        tpu.enqueue_dma source(%dma_start3A_594 : memref<16x128xf32, #tpu.memory_space<vmem_shared>>) target(%dma_start3A_591 : memref<16x128xf32, #tpu.memory_space<hbm>>) target_semaphore(%run_scoped3A_587 : memref<!tpu.dma_semaphore, #tpu.memory_space<semaphore_mem>>)
        %dma_wait3A_595 = arith.constant 9984 : i32
        %dma_wait3A_596 = arith.constant 0 : i32
        %dma_wait3A_597 = tpu.memref_slice %arg4[%arg0, %dma_wait3A_595, %dma_wait3A_596] : memref<2x10000x128xf32, #tpu.memory_space<hbm>> -> memref<1x16x128xf32, #tpu.memory_space<hbm>>
        %dma_wait3A_598 = tpu.memref_squeeze %dma_wait3A_597 : memref<1x16x128xf32, #tpu.memory_space<hbm>> -> memref<16x128xf32, #tpu.memory_space<hbm>>
        %dma_wait3A_599 = arith.constant 9984 : i32
        %dma_wait3A_600 = arith.constant 0 : i32
        %dma_wait3A_601 = tpu.memref_slice %arg6[%dma_wait3A_599, %dma_wait3A_600] : memref<10000x128xf32, #tpu.memory_space<vmem_shared>> -> memref<16x128xf32, #tpu.memory_space<vmem_shared>>
        tpu.wait_dma2 semaphore(%run_scoped3A_587 : memref<!tpu.dma_semaphore, #tpu.memory_space<semaphore_mem>>) src(%dma_wait3A_601 : memref<16x128xf32, #tpu.memory_space<vmem_shared>>) dst(%dma_wait3A_598 : memref<16x128xf32, #tpu.memory_space<hbm>>)
        tpu.yield
      }) : () -> ()
      "tpu.region"() ({
        %run_scoped3A_587 = tpu.sem_alloc : memref<!tpu.dma_semaphore, #tpu.memory_space<semaphore_mem>>
        %dma_start3A_588 = arith.constant 9984 : i32
        %dma_start3A_589 = arith.constant 0 : i32
        %dma_start3A_590 = tpu.memref_slice %arg5[%arg0, %dma_start3A_588, %dma_start3A_589] : memref<2x10000x16xf32, #tpu.memory_space<hbm>> -> memref<1x16x16xf32, #tpu.memory_space<hbm>>
        %dma_start3A_591 = tpu.memref_squeeze %dma_start3A_590 : memref<1x16x16xf32, #tpu.memory_space<hbm>> -> memref<16x16xf32, #tpu.memory_space<hbm>>
        %dma_start3A_592 = arith.constant 9984 : i32
        %dma_start3A_593 = arith.constant 0 : i32
        %dma_start3A_594 = tpu.memref_slice %arg7[%dma_start3A_592, %dma_start3A_593] : memref<10000x16xf32, #tpu.memory_space<vmem_shared>> -> memref<16x16xf32, #tpu.memory_space<vmem_shared>>
        tpu.enqueue_dma source(%dma_start3A_594 : memref<16x16xf32, #tpu.memory_space<vmem_shared>>) target(%dma_start3A_591 : memref<16x16xf32, #tpu.memory_space<hbm>>) target_semaphore(%run_scoped3A_587 : memref<!tpu.dma_semaphore, #tpu.memory_space<semaphore_mem>>)
        %dma_wait3A_595 = arith.constant 9984 : i32
        %dma_wait3A_596 = arith.constant 0 : i32
        %dma_wait3A_597 = tpu.memref_slice %arg5[%arg0, %dma_wait3A_595, %dma_wait3A_596] : memref<2x10000x16xf32, #tpu.memory_space<hbm>> -> memref<1x16x16xf32, #tpu.memory_space<hbm>>
        %dma_wait3A_598 = tpu.memref_squeeze %dma_wait3A_597 : memref<1x16x16xf32, #tpu.memory_space<hbm>> -> memref<16x16xf32, #tpu.memory_space<hbm>>
        %dma_wait3A_599 = arith.constant 9984 : i32
        %dma_wait3A_600 = arith.constant 0 : i32
        %dma_wait3A_601 = tpu.memref_slice %arg7[%dma_wait3A_599, %dma_wait3A_600] : memref<10000x16xf32, #tpu.memory_space<vmem_shared>> -> memref<16x16xf32, #tpu.memory_space<vmem_shared>>
        tpu.wait_dma2 semaphore(%run_scoped3A_587 : memref<!tpu.dma_semaphore, #tpu.memory_space<semaphore_mem>>) src(%dma_wait3A_601 : memref<16x16xf32, #tpu.memory_space<vmem_shared>>) dst(%dma_wait3A_598 : memref<16x16xf32, #tpu.memory_space<hbm>>)
        tpu.yield
      }) : () -> ()
    } else {
    }
    %dma_wait3A_571 = arith.constant 0 : i32
    %dma_wait3A_572 = tpu.memref_slice %arg12[%dma_wait3A_571] : memref<3x!tpu.dma_semaphore, #tpu.memory_space<semaphore_mem>> -> memref<1x!tpu.dma_semaphore, #tpu.memory_space<semaphore_mem>>
    %dma_wait3A_573 = tpu.memref_squeeze %dma_wait3A_572 : memref<1x!tpu.dma_semaphore, #tpu.memory_space<semaphore_mem>> -> memref<!tpu.dma_semaphore, #tpu.memory_space<semaphore_mem>>
    %dma_wait3A_574 = arith.constant 0 : i32
    %dma_wait3A_575 = tpu.memref_slice %arg4[%arg0, %mul3A_100, %dma_wait3A_574] : memref<2x10000x128xf32, #tpu.memory_space<hbm>> -> memref<1x624x128xf32, #tpu.memory_space<hbm>>
    %dma_wait3A_576 = tpu.memref_squeeze %dma_wait3A_575 : memref<1x624x128xf32, #tpu.memory_space<hbm>> -> memref<624x128xf32, #tpu.memory_space<hbm>>
    %dma_wait3A_577 = arith.constant 0 : i32
    %dma_wait3A_578 = tpu.memref_slice %arg6[%mul3A_100, %dma_wait3A_577] : memref<10000x128xf32, #tpu.memory_space<vmem_shared>> -> memref<624x128xf32, #tpu.memory_space<vmem_shared>>
    tpu.wait_dma2 semaphore(%dma_wait3A_573 : memref<!tpu.dma_semaphore, #tpu.memory_space<semaphore_mem>>) src(%dma_wait3A_578 : memref<624x128xf32, #tpu.memory_space<vmem_shared>>) dst(%dma_wait3A_576 : memref<624x128xf32, #tpu.memory_space<hbm>>)
    %dma_wait3A_579 = arith.constant 0 : i32
    %dma_wait3A_580 = tpu.memref_slice %arg12[%dma_wait3A_579] : memref<3x!tpu.dma_semaphore, #tpu.memory_space<semaphore_mem>> -> memref<1x!tpu.dma_semaphore, #tpu.memory_space<semaphore_mem>>
    %dma_wait3A_581 = tpu.memref_squeeze %dma_wait3A_580 : memref<1x!tpu.dma_semaphore, #tpu.memory_space<semaphore_mem>> -> memref<!tpu.dma_semaphore, #tpu.memory_space<semaphore_mem>>
    %dma_wait3A_582 = arith.constant 0 : i32
    %dma_wait3A_583 = tpu.memref_slice %arg5[%arg0, %mul3A_100, %dma_wait3A_582] : memref<2x10000x16xf32, #tpu.memory_space<hbm>> -> memref<1x624x16xf32, #tpu.memory_space<hbm>>
    %dma_wait3A_584 = tpu.memref_squeeze %dma_wait3A_583 : memref<1x624x16xf32, #tpu.memory_space<hbm>> -> memref<624x16xf32, #tpu.memory_space<hbm>>
    %dma_wait3A_585 = arith.constant 0 : i32
    %dma_wait3A_586 = tpu.memref_slice %arg7[%mul3A_100, %dma_wait3A_585] : memref<10000x16xf32, #tpu.memory_space<vmem_shared>> -> memref<624x16xf32, #tpu.memory_space<vmem_shared>>
    tpu.wait_dma2 semaphore(%dma_wait3A_581 : memref<!tpu.dma_semaphore, #tpu.memory_space<semaphore_mem>>) src(%dma_wait3A_586 : memref<624x16xf32, #tpu.memory_space<vmem_shared>>) dst(%dma_wait3A_584 : memref<624x16xf32, #tpu.memory_space<hbm>>)
    return
  }
}

module attributes {stable_mosaic.version = 14 : i64} {
  func.func @_merge_body(%arg0: i32, %arg1: memref<2x1000x128xf32, #tpu.memory_space<vmem>>, %arg2: memref<2x1000x16xf32, #tpu.memory_space<vmem>>, %arg3: memref<1000x128xf32, #tpu.memory_space<vmem>>) attributes {dimension_semantics = [#tpu.dimension_semantics<arbitrary>], iteration_bounds = array<i64: 10>, scalar_prefetch = 0 : i64, scratch_operands = 0 : i64, tpu.core_type = #tpu.core_type<tc>, window_params = [{transform_indices = @transform_0, window_bounds = array<i64: 2, 1000, 128>}, {transform_indices = @transform_1, window_bounds = array<i64: 2, 1000, 16>}, {transform_indices = @transform_2, window_bounds = array<i64: 1000, 128>}]} {
    %get3A = arith.constant 0 : index
    %get3A_0 = arith.constant 0 : index
    %get3A_1 = arith.constant 0 : index
    %get3A_2 = vector.load %arg1[%get3A, %get3A_0, %get3A_1] : memref<2x1000x128xf32, #tpu.memory_space<vmem>>, vector<1x1000x128xf32>
    %get3A_3 = vector.shape_cast %get3A_2 : vector<1x1000x128xf32> to vector<1000x128xf32>
    %get3A_4 = arith.constant 1 : index
    %get3A_5 = arith.constant 0 : index
    %get3A_6 = arith.constant 0 : index
    %get3A_7 = vector.load %arg1[%get3A_4, %get3A_5, %get3A_6] : memref<2x1000x128xf32, #tpu.memory_space<vmem>>, vector<1x1000x128xf32>
    %get3A_8 = vector.shape_cast %get3A_7 : vector<1x1000x128xf32> to vector<1000x128xf32>
    %add3A = arith.addf %get3A_3, %get3A_8 : vector<1000x128xf32>
    %get3A_9 = arith.constant 0 : index
    %get3A_10 = arith.constant 0 : index
    %get3A_11 = arith.constant 0 : index
    %get3A_12 = vector.load %arg2[%get3A_9, %get3A_10, %get3A_11] : memref<2x1000x16xf32, #tpu.memory_space<vmem>>, vector<1x1000x1xf32>
    %get3A_13 = vector.shape_cast %get3A_12 : vector<1x1000x1xf32> to vector<1000x1xf32>
    %get3A_14 = arith.constant 1 : index
    %get3A_15 = arith.constant 0 : index
    %get3A_16 = arith.constant 0 : index
    %get3A_17 = vector.load %arg2[%get3A_14, %get3A_15, %get3A_16] : memref<2x1000x16xf32, #tpu.memory_space<vmem>>, vector<1x1000x1xf32>
    %get3A_18 = vector.shape_cast %get3A_17 : vector<1x1000x1xf32> to vector<1000x1xf32>
    %add3A_19 = arith.addf %get3A_13, %get3A_18 : vector<1000x1xf32>
    %max3A = arith.constant 1.000000e+00 : f32
    %max3A_20 = vector.broadcast %max3A : f32 to vector<1000x1xf32>
    %max3A_21 = arith.maximumf %add3A_19, %max3A_20 : vector<1000x1xf32>
    %div3A = vector.broadcast %max3A_21 : vector<1000x1xf32> to vector<1000x128xf32>
    %div3A_22 = arith.divf %add3A, %div3A : vector<1000x128xf32>
    %swap3A = arith.constant 0 : index
    %swap3A_23 = arith.constant 0 : index
    %swap3A_24 = vector.load %arg3[%swap3A, %swap3A_23] : memref<1000x128xf32, #tpu.memory_space<vmem>>, vector<1000x128xf32>
    tpu.vector_store %arg3[%swap3A, %swap3A_23], %div3A_22 {strides = array<i32>} : memref<1000x128xf32, #tpu.memory_space<vmem>>, vector<1000x128xf32>,
    return
  }
  func.func @transform_0(%arg0: i32) -> (i32, i32, i32) {
    %c0_i32 = arith.constant 0 : i32
    %c0_i32_0 = arith.constant 0 : i32
    %c0_i32_1 = arith.constant 0 : i32
    return %c0_i32, %arg0, %c0_i32_0 : i32, i32, i32
  }
  func.func @transform_1(%arg0: i32) -> (i32, i32, i32) {
    %c0_i32 = arith.constant 0 : i32
    %c0_i32_0 = arith.constant 0 : i32
    %c0_i32_1 = arith.constant 0 : i32
    return %c0_i32, %arg0, %c0_i32_0 : i32, i32, i32
  }
  func.func @transform_2(%arg0: i32) -> (i32, i32) {
    %c0_i32 = arith.constant 0 : i32
    %c0_i32_0 = arith.constant 0 : i32
    return %arg0, %c0_i32 : i32, i32
  }
}

</mosaic_0001>

<sc_bundles>
// kernel: kernel.4.cloned.1.call-start
scs
__scs_entry_jumppad:
0x0: {  	(pc) =	sbr.rel $0x88, $3  }
0x1: {  	(tag) =	ssettag $0x0;
	lr =	simm.s32 $0x1  }
0x2: {  	[smem:$0x3F9F] =	sst lr;
	_ =	strace $0xD0000000  }
0x3: {  	_ = 	snop  }
0x4: {  	_ = 	snop  }
0x5: {  	_ = 	snop  }
0x6: {  	_ = 	snop  }
0x7: {  	_ = 	snop  }
__scs_overlays_trampoline_lowered:
0x8: {  	[smem:$0x3FAE] =	sst s0  }
0x9: {  	[smem:$0x3FAF] =	sst s1  }
0xa: {  	[smem:$0x3FB0] =	sst s2  }
0xb: {  	[smem:$0x3FB1] =	sst s3  }
0xc: {  	[smem:$0x3FB2] =	sst s4  }
0xd: {  	[smem:$0x3FB3] =	sst s5  }
0xe: {  	[smem:$0x3FB4] =	sst s6  }
0xf: {  	[smem:$0x3FB5] =	sst s7  }
0x10: {  	[smem:$0x3FB6] =	sst s8  }
0x11: {  	[smem:$0x3FB7] =	sst s9;
	s0 =	simm.s32 @!p0 $0x0  }
0x12: {  	s1 =	sld [smem:$0x3F9D];
	s0 =	simm.s32 @p0 $0x1  }
0x13: {  	[smem:$0x3FB8] =	sst s0;
	s0 =	simm.s32 @!p1 $0x0  }
0x14: {  	s2 =	sld [smem:$0x3F9C];
	s0 =	simm.s32 @p1 $0x1  }
0x15: {  	[smem:$0x3FB9] =	sst s0;
	s0 =	simm.s32 @!p2 $0x0  }
0x16: {  	s3 =	sld [smem:$0x3FDB];
	s0 =	simm.s32 @p2 $0x1  }
0x17: {  	s4 =	simm.s32 $0x1BF5;
	[smem:$0x3FBB] =	sst s0  }
0x18: {  	s0 =	sld [smem:$0x3F9E];
	_ =	swait.ge [sflag:s4], $0x0  }
0x19: {  	s7 =	sld [smem:$0x3F9F]  }
0x1a: {  	s8 =	sadd.s32 $0xFFFFE003, lr  }
0x1b: {  	s9 =	sadd.s32 $0xFFFFFEF7, lr;
	s5 =	simm.s32 $0xFFFFFFFF;
	p2 =	slt.u32 s8, $0xFFFFF086  }
0x1c: {  	p1 =	slt.u32 s9, $0xF7A;
	s5 =	simm.s32 @!p2 $0x0  }
0x1d: {  	s5 =	simm.s32 @p1 $0x1;
	p0 =	seq.s32 s7, s2  }
0x1e: {  	s7 =	smul.u32 @!p0 $0xF7A, s2;
	p2 =	seq.s32 @!p0 s5, $0x0  }
0x1f: {  	s9 =	smul.u32 $0xF7A, s1;
	s8 =	simm.s32 @!p0 $0x1BF5;
	p2 =	por !p2, p0  }
0x20: {  	[sflag:s8] =	ssyncset.s32 @!p0 $0xFFFFF086;
	s6 =	sadd.s32 @!p0 s3, s7;
	s7 =	simm.s32 @!p0 $0x108  }
0x21: {  	s3 =	sadd.s32 s3, s9;
	s6 =	sadd.s32 @!p0 $0x88, s6;
	s7 =	simm.s32 @p2 $0x1082  }
0x22: {  	[simem:s7], [sflag:s8] =	dma.local @!p0 [hbm:s6], $0xF7A  }
0x23: {  	s9 =	sor.u32 $0xD0000000, s2;
	s6 =	simm.s32 $0x108;
	_ =	swait.ge @!p0 [sflag:s8], $0x0  }
0x24: {  	s3 =	sadd.s32 $0x88, s3;
	s6 =	simm.s32 @!p1 $0x1082;
	[sflag:s4] =	ssyncset.s32 $0xFFFFF086  }
0x25: {  	[simem:s6], [sflag:s4] =	dma.local [hbm:s3], $0xF7A  }
0x26: {  	[smem:$0x3F9F] =	sst s1;
	(tag) =	ssettag s2;
	_ =	strace s9  }
0x27: {  	s1 =	sld [smem:$0x3FAF]  }
0x28: {  	s2 =	sld [smem:$0x3FB0]  }
0x29: {  	s4 =	sld [smem:$0x3FB2]  }
0x2a: {  	p0 =	seq.s32 s5, $0x0;
	s5 =	sld [smem:$0x3FB3]  }
0x2b: {  	s6 =	sld [smem:$0x3FB4]  }
0x2c: {  	s7 =	sld [smem:$0x3FB5]  }
0x2d: {  	s3 =	simm.s32 $0x108;
	s8 =	sld [smem:$0x3FB6]  }
0x2e: {  	s3 =	simm.s32 @!p0 $0x1082;
	s9 =	sld [smem:$0x3FB7]  }
0x2f: {  	lr =	sadd.s32 s0, s3;
	s0 =	sld [smem:$0x3FAE]  }
0x30: {  	s3 =	sld [smem:$0x3FB1]  }
0x31: {  	[smem:$0x3FBA] =	sst s10  }
0x32: {  	s10 =	sld [smem:$0x3FB8];
	_ =	sdelay $0x3  }
0x33: {  	p0 =	seq.s32 s10, $0x1;
	s10 =	sld [smem:$0x3FBA];
	_ =	sdelay $0x3  }
0x34: {  	[smem:$0x3FBA] =	sst s10  }
0x35: {  	s10 =	sld [smem:$0x3FB9];
	_ =	sdelay $0x3  }
0x36: {  	p1 =	seq.s32 s10, $0x1;
	s10 =	sld [smem:$0x3FBA];
	_ =	sdelay $0x3  }
0x37: {  	[smem:$0x3FBA] =	sst s10  }
0x38: {  	s10 =	sld [smem:$0x3FBB]  }
0x39: {  	_ = 	snop;
	(pc) =	sbr.ind lr, $3  }
0x3a: {  	_ = 	snop  }
0x3b: {  	_ = 	snop  }
0x3c: {  	p2 =	seq.s32 s10, $0x1;
	s10 =	sld [smem:$0x3FBA]  }
0x3d: {  	_ =	shalt  }
0x3e: {  	_ =	shalt  }
0x3f: {  	_ =	shalt  }
0x40: {  	_ =	shalt  }
0x41: {  	_ =	shalt  }
0x42: {  	_ =	shalt  }
0x43: {  	_ =	shalt  }
0x44: {  	_ =	shalt  }
0x45: {  	_ =	shalt  }
0x46: {  	_ =	shalt  }
0x47: {  	_ =	shalt  }
0x48: {  	_ =	shalt  }
0x49: {  	_ =	shalt  }
0x4a: {  	_ =	shalt  }
0x4b: {  	_ =	shalt  }
0x4c: {  	_ =	shalt  }
0x4d: {  	_ =	shalt  }
0x4e: {  	_ =	shalt  }
0x4f: {  	_ =	shalt  }
0x50: {  	_ =	shalt  }
0x51: {  	_ =	shalt  }
0x52: {  	_ =	shalt  }
0x53: {  	_ =	shalt  }
0x54: {  	_ =	shalt  }
0x55: {  	_ =	shalt  }
0x56: {  	_ =	shalt  }
0x57: {  	_ =	shalt  }
0x58: {  	_ =	shalt  }
0x59: {  	_ =	shalt  }
0x5a: {  	_ =	shalt  }
0x5b: {  	_ =	shalt  }
0x5c: {  	_ =	shalt  }
0x5d: {  	_ =	shalt  }
0x5e: {  	_ =	shalt  }
0x5f: {  	_ =	shalt  }
0x60: {  	_ =	shalt  }
0x61: {  	_ =	shalt  }
0x62: {  	_ =	shalt  }
0x63: {  	_ =	shalt  }
0x64: {  	_ =	shalt  }
0x65: {  	_ =	shalt  }
0x66: {  	_ =	shalt  }
0x67: {  	_ =	shalt  }
0x68: {  	_ =	shalt  }
0x69: {  	_ =	shalt  }
0x6a: {  	_ =	shalt  }
0x6b: {  	_ =	shalt  }
0x6c: {  	_ =	shalt  }
0x6d: {  	_ =	shalt  }
0x6e: {  	_ =	shalt  }
0x6f: {  	_ =	shalt  }
0x70: {  	_ =	shalt  }
0x71: {  	_ =	shalt  }
0x72: {  	_ =	shalt  }
0x73: {  	_ =	shalt  }
0x74: {  	_ =	shalt  }
0x75: {  	_ =	shalt  }
0x76: {  	_ =	shalt  }
0x77: {  	_ =	shalt  }
0x78: {  	_ =	shalt  }
0x79: {  	_ =	shalt  }
0x7a: {  	_ =	shalt  }
0x7b: {  	_ =	shalt  }
0x7c: {  	_ =	shalt  }
0x7d: {  	_ =	shalt  }
0x7e: {  	_ =	shalt  }
0x7f: {  	_ =	shalt  }
0x80: {  	_ =	shalt  }
0x81: {  	_ =	shalt  }
0x82: {  	_ =	shalt  }
0x83: {  	_ =	shalt  }
0x84: {  	_ =	shalt  }
0x85: {  	_ =	shalt  }
0x86: {  	_ =	shalt  }
0x87: {  	_ =	shalt  }
.Lfunc_end0:
.L_simem_size_0:
called_computation_lowered:
.L_overlay_start_0:
0x88: {  	s2 =	sld [smem:$0x3FD9]  }
0x89: {  	s3 =	sld [smem:$0x3FFE];
	_ =	sdelay $0x1  }
0x8a: {  	s1 =	srdreg.scid  }
0x8b: {  	s0 =	sand.u32 $0x1, s1  }
0x8c: {  	s17 =	sshll.u32 s0, $0xA;
	s2 =	sadd.s32 s3, s2  }
0x8d: {  	s2 =	sadd.s32 s2, s17  }
0x8e: {  	[smem:$0x3FC6] =	sst s2  }
0x8f: {  	_ = 	snop  }
0x90: {  	s2 =	sld [smem:$0x3FC9]  }
0x91: {  	s18 =	sld [smem:$0x3FC8]  }
0x92: {  	s4 =	sld [smem:$0x3FD0];
	(tm) =	ssettm $0x1  }
0x93: {  	s5 =	sld [smem:$0x3FFB];
	_ =	sdelay $0x3  }
0x94: {  	_ =	strace s5  }
0x95: {  	s5 =	sld [smem:$0x3FFC];
	_ =	sdelay $0x3  }
0x96: {  	_ =	strace s5  }
0x97: {  	s5 =	sld [smem:$0x3FFD];
	_ =	sdelay $0x3  }
0x98: {  	_ =	strace s5  }
0x99: {  	_ =	strace $0x8FFFFFFF  }
0x9a: {  	s19 =	sld [smem:$0x3FDB];
	_ =	sdelay $0x1  }
0x9b: {  	s6 =	simm.s32 $_scs_section_size  }
0x9c: {  	s7 =	simm.s32 $_size__tile_overlayer_lowered;
	s8 =	simm.s32 $_tile_overlayer_lowered  }
0x9d: {  	s22 =	simm.s32 $0x1BFF;
	s21 =	sshll.u32 s8, $0x1;
	s5 =	sadd.s32 s6, s19  }
0x9e: {  	s9 =	simm.s32 $0x0;
	s20 =	sshll.u32 s7, $0x1;
	s7 =	sadd.s32 s21, s5  }
0x9f: {  	[timem:s9], [sflag:s22] =	dma.local [hbm:s7], s20  }
0xa0: {  	_ =	swait.ge [sflag:s22], s20  }
0xa1: {  	s6 =	ssub.s32 $0x0, s20;
	[sflag:s22] =	ssyncset.done $0x0  }
0xa2: {  	[sflag:s22] =	ssyncadd.s32 s6;
	_ =	sdelay $0x1  }
0xa3: {  	s23 =	simm.s32 $0x1B8B  }
0xa4: {  	_ =	swait.ge [sflag:s23], $0x1  }
0xa5: {  	[sflag:s23] =	ssyncset.done $0x0  }
0xa6: {  	s25 =	simm.s32 $0x1B8E;
	s24 =	sld [smem:$0x3FFE];
	[sflag:s23] =	ssyncadd.s32 $0xFFFFFFFF  }
0xa7: {  	s26 =	simm.s32 $execute0_lowered;
	[smem:$0x3FD2] =	sst s25  }
0xa8: {  	s7 =	sshll.u32 s26, $0x1;
	_ =	strace $0x80000046;
	[dreg:$0x1] =	wrdreg $0xFFFFFFFF  }
0xa9: {  	s28 =	simm.s32 $_size_execute0_lowered;
	s5 =	sadd.s32 s5, s7;
	[dreg:$0x0] =	wrdreg $0x0  }
0xaa: {  	s7 =	sshll.u32 s28, $0x1;
	[dreg:$0x2] =	wrdreg s5  }
0xab: {  	[dreg:$0x3] =	wrdreg s7  }
0xac: {  	[dreg:$0x4] =	wrdreg $0xC0  }
0xad: {  	_ =	task [dreg:s9], $0x5FFFF  }
0xae: {  	[dreg:$0x1] =	wrdreg $0xFFFFFFFF  }
0xaf: {  	[dreg:$0x0] =	wrdreg $0x60  }
0xb0: {  	[dreg:$0x2] =	wrdreg s2  }
0xb1: {  	[dreg:$0x3] =	wrdreg s18  }
0xb2: {  	[dreg:$0x4] =	wrdreg s24  }
0xb3: {  	[dreg:$0x5] =	wrdreg s4  }
0xb4: {  	[dreg:$0x6] =	wrdreg $0x0  }
0xb5: {  	[dreg:$0x7] =	wrdreg $0x138800  }
0xb6: {  	[dreg:$0x8] =	wrdreg $0x9  }
0xb7: {  	_ =	task.clear_ibuf [dreg:s9], $0x9FFFF;
	_ =	strace $0x90000046  }
0xb8: {  	s29 =	simm.s32 $0x9;
	_ =	strace $0x80000048  }
0xb9: {  	_ =	swait.ge [sflag:s29], $0x1  }
0xba: {  	[sflag:s29] =	ssyncadd.s32 $0xFFFFFFFF  }
0xbb: {  	_ =	strace $0x90000048  }
0xbc: {  	_ =	sfence  }
0xbd: {  	s30 =	sld [smem:$0x0];
	_ =	sdelay $0x2  }
0xbe: {  	s31 =	sshll.u32 s1, $0xD;
	s1 =	sshrl.u32 s1, $0x2  }
0xbf: {  	s3 =	sand.u32 $0x4000, s31;
	s1 =	sadd.s32 s1, s30  }
0xc0: {  	s0 =	sor.u32 s3, s0;
	s1 =	sshll.u32 s1, $0x11  }
0xc1: {  	s0 =	sor.u32 s1, s0  }
0xc2: {  	s0 =	sadd.s32 $0x8F2B, s0  }
0xc3: {  	[sflag:s0] =	ssyncadd.remote.s32 $0x1  }
0xc4: {  	_ =	sfence.sel $0xFFFF  }
0xc5: {  	[dreg:$0x0] =	wrdreg $0xFFFFFFFF;
	(pc) =	sbr.abs _section_cstart, $3  }
0xc6: {  	[dreg:$0x1] =	wrdreg $0xFFFFFFFF  }
0xc7: {  	_ =	task.clear_ibuf [dreg:s9], $0x2FFFF;
	_ =	strace $0x9FFFFFFF  }
0xc8: {  	(tm) =	ssettm $0x7FFFFFFF  }
0xc9: {  	_ =	shalt  }
tec
execute0_lowered:
.L_overlay_start_1:
0x0: {  	(tag) =	ssettag $0x1  }
0x1: {  	s1 =	rddreg [dreg:$0x0]  }
0x2: {  	s2 =	rddreg [dreg:$0x1]  }
0x3: {  	s5 =	rddreg [dreg:$0x2]  }
0x4: {  	s6 =	rddreg [dreg:$0x3]  }
0x5: {  	s0 =	rddreg [dreg:$0x4];
	s18 =	stileid.u32  }
0x6: {  	s4 =	srdreg.scid;
	s25 =	smul.u32 $0x13800, s18  }
0x7: {  	s7 =	sand.u32 $0x1, s4;
	s8 =	sshll.u32 s18, $0x1;
	s26 =	smul.u32 $0x4E000, s18  }
0x8: {  	s3 =	rddreg [dreg:$0x5];
	s8 =	sor.u32 s7, s8;
	s28 =	smul.u32 $0x138800, s7  }
0x9: {  	s4 =	simm.s32 $0x0;
	s5 =	sadd.s32 $0xA00, s5;
	s10 =	smul.u32 $0x138800, s8  }
0xa: {  	p0 =	sne.s32 s18, $0x0;
	[smem:$0x7FF] =	sst s4;
	s12 =	smul.u32 $0x2710, s8  }
0xb: {  	s9 =	ssub.s32 $0x2, s7;
	_ =	strace $0x80000047;
	s21 =	smul.u32 $0x4E2, s8  }
0xc: {  	s11 =	sshrl.u32 s9, $0x1;
	s17 =	sshrl.u32 s26, $0x2;
	s8 =	smul.u32 $0x27100, s8  }
0xd: {  	s11 =	ssub.s32 s9, s11;
	s15 =	sadd.s32 s25, s28;
	s23 =	sshrl.u32 s10, $0x3  }
0xe: {  	s24 =	sshrl.u32 s12, $0x3;
	s20 =	sshrl.u32 s15, $0x3;
	s15 =	sadd.s32 s2, s21  }
0xf: {  	s8 =	sadd.s32 s1, s8;
	s9 =	sadd.s32 s1, s23;
	s10 =	sadd.s32 s2, s24  }
0x10: {  	s12 =	sadd.s32 s5, s20;
	s24 =	smul.u32 $0x2710, s7;
	[dreg:$0xf] =	wrdreg s15  }
0x11: {  	[dreg:$0x10] =	wrdreg s8;
	s8 =	simm.s32 $0x1D830;
	s15 =	simm.s32 $0x50  }
0x12: {  	s13 =	sadd.s32 $0x500, s9;
	s14 =	sadd.s32 $0xA, s10;
	[dreg:$0xc] =	wrdreg s12  }
0x13: {  	s16 =	sadd.s32 $0x14, s10;
	s10 =	smul.u32 $0x2700, s18;
	[dreg:$0x7] =	wrdreg s13  }
0x14: {  	s9 =	sadd.s32 $0xA00, s9;
	[dreg:$0xa] =	wrdreg s16;
	s16 =	smul.u32 $0x27100, s7  }
0x15: {  	[dreg:$0x8] =	wrdreg s14;
	s13 =	sadd.s32 s17, s0;
	s17 =	smul.u32 $0x4E20, s18  }
0x16: {  	[dreg:$0x9] =	wrdreg s9;
	s9 =	sadd.s32 s25, s0;
	s25 =	smul.u32 $0x9C4, s18  }
0x17: {  	s14 =	sshrl.u32 s28, $0x3;
	s7 =	smul.u32 $0x4E2, s7;
	s19 =	sadd.s32 $0x2800, s13  }
0x18: {  	s5 =	sadd.s32 s5, s14;
	s28 =	sadd.s32 $0x5000, s13;
	s20 =	sadd.s32 $0xA000, s13  }
0x19: {  	s14 =	simm.s32 $0x1;
	[dreg:$0xb] =	wrdreg s19;
	s22 =	sadd.s32 s10, s16  }
0x1a: {  	s23 =	sshrl.u32 s16, $0x3;
	s26 =	sadd.s32 s24, s17;
	[dreg:$0xe] =	wrdreg s28  }
0x1b: {  	s2 =	sadd.s32 s25, s2;
	s16 =	smul.u32 $0x9C00, s18;
	s19 =	sadd.s32 $0x7800, s13  }
0x1c: {  	[dreg:$0x12] =	wrdreg s20;
	s24 =	sadd.s32 $0x11800, s13;
	s5 =	sadd.s32 $0x27000, s5  }
0x1d: {  	s28 =	smax.u32 s11, $0x1;
	s18 =	simm.s32 $0x3;
	[dreg:$0x11] =	wrdreg s19  }
0x1e: {  	s20 =	simm.s32 $0x6;
	s12 =	sshrl.u32 s22, $0x3;
	[dreg:$0x15] =	wrdreg s24  }
0x1f: {  	s17 =	sshll.u32 s26, $0x4;
	s2 =	sadd.s32 s7, s2;
	[dreg:$0x18] =	wrdreg s5  }
0x20: {  	s22 =	sadd.s32 $0xC800, s13;
	[dreg:$0x1a] =	wrdreg s28;
	s5 =	simm.s32 $0x18790  }
0x21: {  	s19 =	simm.s32 $0x5;
	s12 =	sadd.s32 s6, s12;
	s6 =	sadd.s32 s6, s23  }
0x22: {  	s1 =	sadd.s32 s1, s17;
	s21 =	sshrl.u32 s16, $0x2;
	[dreg:$0x13] =	wrdreg s22  }
0x23: {  	s23 =	sadd.s32 $0xF000, s13;
	s2 =	sadd.s32 $0x1E, s2;
	s13 =	simm.s32 $0x1D790  }
0x24: {  	s16 =	simm.s32 $0x1D880;
	s17 =	simm.s32 $0x2;
	[dreg:$0xd] =	wrdreg s12  }
0x25: {  	s22 =	simm.s32 $0x7;
	[dreg:$0x14] =	wrdreg s23;
	s7 =	sadd.s32 s21, s3  }
0x26: {  	s21 =	sadd.s32 s10, s3;
	s26 =	sadd.s32 $0x4E00, s6;
	[dreg:$0x1b] =	wrdreg s2  }
0x27: {  	s29 =	sadd.s32 $0xF00, s1;
	s30 =	sadd.s32 $0x1900, s1;
	s31 =	sadd.s32 $0x1400, s1  }
0x28: {  	s1 =	sadd.s32 $0x138000, s0;
	s2 =	sadd.s32 $0x27000, s3;
	s6 =	simm.s32 $0x1D7E0  }
0x29: {  	s10 =	simm.s32 $0x15F90;
	s25 =	sadd.s32 $0xD00, s7;
	[dreg:$0x19] =	wrdreg s26  }
0x2a: {  	s12 =	simm.s32 $0x4;
	s7 =	sadd.s32 $0x1A00, s7;
	[dreg:$0x16] =	wrdreg s25  }
0x2b: {  	v0 =	vimm.f32 $0.0e+00;
	v1 =	vimm.f32 $1.000000000e+00;
	s23 =	simm.s32 $0x0;
	[dreg:$0x17] =	wrdreg s7;
	s7 =	simm.s32 $0x1AF90  }
.LBB2_1:
0x2c: {  	s11 =	rddreg [dreg:$0x7]  }
0x2d: {  	[tilespmem:s5], [sflag:$0x2] =	stream.linear.gather [hbm4b:s11+s4], $0x2800, $0x38;
	[tilespmem:$0x1EA80] =	vst v63  }
0x2e: {  	s24 =	rddreg [dreg:$0x8]  }
0x2f: {  	[tilespmem:s6], [sflag:$0x2] =	stream.linear.gather [hbm4b:s24+s4], $0x50, $0x38;
	[tilespmem:$0x1EA80] =	vst v63  }
0x30: {  	s25 =	rddreg [dreg:$0x9]  }
0x31: {  	[tilespmem:s7], [sflag:$0x3] =	stream.linear.gather [hbm4b:s25+s4], $0x2800, $0x38;
	[tilespmem:$0x1EA80] =	vst v63  }
0x32: {  	s26 =	rddreg [dreg:$0xa];
	s24 =	sand.u32 $0xFE00, s4  }
0x33: {  	[tilespmem:s8], [sflag:$0x3] =	stream.linear.gather [hbm4b:s26+s4], $0x50, $0x38;
	[tilespmem:$0x1EA80] =	vst v63  }
0x34: {  	s28 =	sshrl.u32 s24, $0x2;
	s26 =	sand.u32 $0x70, s4  }
0x35: {  	s24 =	simm.s32 $0x40;
	s26 =	sor.u32 s26, s28;
	s28 =	simm.s32 $0x0  }
.LBB2_2:
0x36: {  	p1 =	sne.s32 s24, $0x9FC0  }
0x37: {  	[tilespmem:s26+$0x15F90] =	vst v0;
	s28 =	sadd.s32 $0x10, s28;
	s26 =	smov.u32 s24;
	s24 =	sadd.s32 $0x40, s24  }
.Ltmp0:
0x38: {  	(pc) =	sbr.rel @p1 .LBB2_2-.Ltmp0, $4  }
0x39: {  	_ = 	snop  }
0x3a: {  	s26 =	sand.u32 $0xFE00, s26  }
0x3b: {  	s25 =	sand.u32 $0x70, s28;
	s26 =	sshrl.u32 s26, $0x2  }
0x3c: {  	s26 =	sor.u32 s25, s26  }
0x3d: {  	[tilespmem:s26+$0x15F90] =	vst v0;
	s24 =	simm.s32 $0x40;
	s26 =	simm.s32 $0x0  }
.LBB2_4:
0x3e: {  	p1 =	sne.s32 s24, $0x33C0;
	[tilespmem:s26+$0x1DD80] =	vst v0;
	s25 =	smov.u32 s24;
	s24 =	sadd.s32 $0x40, s24  }
.Ltmp1:
0x3f: {  	(pc) =	sbr.rel @p1 .LBB2_4-.Ltmp1, $2  }
0x40: {  	_ =	sdelay $0x2  }
0x41: {  	s26 =	sshra.s32 s25, $0x2  }
0x42: {  	[tilespmem:s26+$0x1DD80] =	vst v0;
	s24 =	simm.s32 $0x40;
	s26 =	simm.s32 $0x0  }
.LBB2_6:
0x43: {  	p1 =	sne.s32 s24, $0x13C0;
	[tilespmem:s26+$0x1D880] =	vst v1;
	s25 =	smov.u32 s24;
	s24 =	sadd.s32 $0x40, s24  }
.Ltmp2:
0x44: {  	(pc) =	sbr.rel @p1 .LBB2_6-.Ltmp2, $2  }
0x45: {  	_ =	sdelay $0x2  }
0x46: {  	s26 =	sshra.s32 s25, $0x2  }
0x47: {  	[tilespmem:s26+$0x1D880] =	vst v1  }
0x48: {  	[spmem:s9] =	stream.linear.scatter [tilespmem:s10], [sflag:$0x4], $0x2800, $0x38;
	[tilespmem:$0x1EA80] =	vst v63  }
0x49: {  	s11 =	rddreg [dreg:$0xb]  }
0x4a: {  	[spmem:s11] =	stream.linear.scatter [tilespmem:s10], [sflag:$0x4], $0x2800, $0x38;
	[tilespmem:$0x1EA80] =	vst v63  }
0x4b: {  	s25 =	rddreg [dreg:$0xe]  }
0x4c: {  	[spmem:s25] =	stream.linear.scatter [tilespmem:s10], [sflag:$0x4], $0x2800, $0x38;
	[tilespmem:$0x1EA80] =	vst v63  }
0x4d: {  	s26 =	rddreg [dreg:$0x11]  }
0x4e: {  	[spmem:s26] =	stream.linear.scatter [tilespmem:s10], [sflag:$0x4], $0x2800, $0x38;
	[tilespmem:$0x1EA80] =	vst v63  }
0x4f: {  	s24 =	rddreg [dreg:$0x12]  }
0x50: {  	[spmem:s24] =	stream.linear.scatter [tilespmem:s10], [sflag:$0x4], $0x2800, $0x38;
	[tilespmem:$0x1EA80] =	vst v63  }
0x51: {  	s25 =	rddreg [dreg:$0x13]  }
0x52: {  	[spmem:s25] =	stream.linear.scatter [tilespmem:s10], [sflag:$0x4], $0x2800, $0x38;
	[tilespmem:$0x1EA80] =	vst v63  }
0x53: {  	s26 =	rddreg [dreg:$0x14]  }
0x54: {  	[spmem:s26] =	stream.linear.scatter [tilespmem:s10], [sflag:$0x4], $0x2800, $0x38;
	[tilespmem:$0x1EA80] =	vst v63  }
0x55: {  	s24 =	rddreg [dreg:$0x15]  }
0x56: {  	[spmem:s24] =	stream.linear.scatter [tilespmem:s10], [sflag:$0x4], $0x2000, $0x38;
	[tilespmem:$0x1EA80] =	vst v63  }
0x57: {  	s24 =	simm.s32 $0x1DD80  }
0x58: {  	[spmem:s21] =	stream.linear.scatter [tilespmem:s24], [sflag:$0x4], $0xD00, $0x38;
	[tilespmem:$0x1EA80] =	vst v63  }
0x59: {  	s25 =	rddreg [dreg:$0x16]  }
0x5a: {  	[spmem:s25] =	stream.linear.scatter [tilespmem:s24], [sflag:$0x4], $0xD00, $0x38;
	[tilespmem:$0x1EA80] =	vst v63  }
0x5b: {  	s26 =	rddreg [dreg:$0x17]  }
0x5c: {  	[spmem:s26] =	stream.linear.scatter [tilespmem:s24], [sflag:$0x4], $0xD00, $0x38;
	[tilespmem:$0x1EA80] =	vst v63  }
0x5d: {  	_ =	swait.ge [sflag:s12], $0x2800  }
0x5e: {  	[sflag:s12] =	ssyncset.done $0x0  }
0x5f: {  	[sflag:s12] =	ssyncadd.s32 $0xFFFFD800  }
0x60: {  	_ =	swait.ge [sflag:s12], $0x2800  }
0x61: {  	[sflag:s12] =	ssyncset.done $0x0  }
0x62: {  	[sflag:s12] =	ssyncadd.s32 $0xFFFFD800  }
0x63: {  	_ =	swait.ge [sflag:s12], $0x2800  }
0x64: {  	[sflag:s12] =	ssyncset.done $0x0  }
0x65: {  	[sflag:s12] =	ssyncadd.s32 $0xFFFFD800  }
0x66: {  	_ =	swait.ge [sflag:s12], $0x2800  }
0x67: {  	[sflag:s12] =	ssyncset.done $0x0  }
0x68: {  	[sflag:s12] =	ssyncadd.s32 $0xFFFFD800  }
0x69: {  	_ =	swait.ge [sflag:s12], $0x2800  }
0x6a: {  	[sflag:s12] =	ssyncset.done $0x0  }
0x6b: {  	[sflag:s12] =	ssyncadd.s32 $0xFFFFD800  }
0x6c: {  	_ =	swait.ge [sflag:s12], $0x2800  }
0x6d: {  	[sflag:s12] =	ssyncset.done $0x0  }
0x6e: {  	[sflag:s12] =	ssyncadd.s32 $0xFFFFD800  }
0x6f: {  	_ =	swait.ge [sflag:s12], $0x2800  }
0x70: {  	[sflag:s12] =	ssyncset.done $0x0  }
0x71: {  	[sflag:s12] =	ssyncadd.s32 $0xFFFFD800  }
0x72: {  	_ =	swait.ge [sflag:s12], $0x2000  }
0x73: {  	[sflag:s12] =	ssyncset.done $0x0  }
0x74: {  	[sflag:s12] =	ssyncadd.s32 $0xFFFFE000  }
0x75: {  	_ =	swait.ge [sflag:s12], $0xD00  }
0x76: {  	[sflag:s12] =	ssyncset.done $0x0  }
0x77: {  	[sflag:s12] =	ssyncadd.s32 $0xFFFFF300  }
0x78: {  	_ =	swait.ge [sflag:s12], $0xD00  }
0x79: {  	[sflag:s12] =	ssyncset.done $0x0  }
0x7a: {  	[sflag:s12] =	ssyncadd.s32 $0xFFFFF300  }
0x7b: {  	_ =	swait.ge [sflag:s12], $0xD00  }
0x7c: {  	[sflag:s12] =	ssyncset.done $0x0  }
0x7d: {  	s24 =	simm.s32 @!p0 $0x15F90;
	[sflag:s12] =	ssyncadd.s32 $0xFFFFF300  }
0x7e: {  	[spmem:s1] =	stream.linear.scatter @!p0 [tilespmem:s24], [sflag:$0x7], $0x800, $0x38;
	[tilespmem:$0x1EA80] =	vst v63  }
0x7f: {  	s24 =	simm.s32 @!p0 $0x7  }
0x80: {  	_ =	swait.ge @!p0 [sflag:s24], $0x800  }
0x81: {  	[sflag:s24] =	ssyncset.done @!p0 $0x0  }
0x82: {  	s25 =	simm.s32 @!p0 $0x1DD80;
	[sflag:s24] =	ssyncadd.s32 @!p0 $0xFFFFF800  }
0x83: {  	[spmem:s2] =	stream.linear.scatter @!p0 [tilespmem:s25], [sflag:$0x7], $0x100, $0x38;
	[tilespmem:$0x1EA80] =	vst v63  }
0x84: {  	_ =	swait.ge @!p0 [sflag:s24], $0x100  }
0x85: {  	[sflag:s24] =	ssyncset.done @!p0 $0x0  }
0x86: {  	[sflag:s24] =	ssyncadd.s32 @!p0 $0xFFFFFF00  }
0x87: {  	[bflag:$0x0] =	sbarrier.arrive $0xFFFF  }
0x88: {  	s25 =	rddreg [dreg:$0x10]  }
0x89: {  	s24 =	simm.s32 $0x0;
	s26 =	rddreg [dreg:$0xf]  }
0x8a: {  	[tilespmem:s10], [sflag:$0x1] =	stream.linear.gather [hbm4b:s25+s24], $0x2800, $0x38;
	[tilespmem:$0x1EA80] =	vst v63  }
0x8b: {  	s28 =	rddreg [dreg:$0x1b]  }
0x8c: {  	[tilespmem:s13], [sflag:$0x1] =	stream.linear.gather [hbm4b:s26+s24], $0x50, $0x38;
	[tilespmem:$0x1EA80] =	vst v63  }
.LBB2_8:
0x8d: {  	_ =	swait.ge [sflag:s14], $0x2800  }
0x8e: {  	[sflag:s14] =	ssyncset.done $0x0  }
0x8f: {  	[sflag:s14] =	ssyncadd.s32 $0xFFFFD800  }
0x90: {  	_ =	swait.ge [sflag:s14], $0x50  }
0x91: {  	[sflag:s14] =	ssyncset.done $0x0  }
0x92: {  	[sflag:s14] =	ssyncadd.s32 $0xFFFFFFB0  }
0x93: {  	[spmem:s0] =	stream.indirect.scatter.add.f32 [tilespmem:s10], [sflag:$0x4], $0x80, s13, s15, $0xb8;
	[tilespmem:$0x1EA80] =	vst v63  }
0x94: {  	_ = 	snop  }
0x95: {  	[spmem:s3] =	stream.indirect.scatter.add.f32 [tilespmem:s16], [sflag:$0x4], $0x10, s13, s15, $0xb8;
	[tilespmem:$0x1EA80] =	vst v63  }
0x96: {  	_ =	swait.ge [sflag:s17], $0x2800  }
0x97: {  	[sflag:s17] =	ssyncset.done $0x0  }
0x98: {  	[sflag:s17] =	ssyncadd.s32 $0xFFFFD800  }
0x99: {  	_ =	swait.ge [sflag:s17], $0x50  }
0x9a: {  	[sflag:s17] =	ssyncset.done $0x0  }
0x9b: {  	[sflag:s17] =	ssyncadd.s32 $0xFFFFFFB0  }
0x9c: {  	[spmem:s0] =	stream.indirect.scatter.add.f32 [tilespmem:s5], [sflag:$0x5], $0x80, s6, s15, $0xb8;
	[tilespmem:$0x1EA80] =	vst v63  }
0x9d: {  	_ = 	snop  }
0x9e: {  	[spmem:s3] =	stream.indirect.scatter.add.f32 [tilespmem:s16], [sflag:$0x5], $0x10, s6, s15, $0xb8;
	[tilespmem:$0x1EA80] =	vst v63  }
0x9f: {  	_ =	swait.ge [sflag:s18], $0x2800  }
0xa0: {  	[sflag:s18] =	ssyncset.done $0x0  }
0xa1: {  	[sflag:s18] =	ssyncadd.s32 $0xFFFFD800  }
0xa2: {  	_ =	swait.ge [sflag:s18], $0x50  }
0xa3: {  	[sflag:s18] =	ssyncset.done $0x0  }
0xa4: {  	[sflag:s18] =	ssyncadd.s32 $0xFFFFFFB0  }
0xa5: {  	[spmem:s0] =	stream.indirect.scatter.add.f32 [tilespmem:s7], [sflag:$0x6], $0x80, s8, s15, $0xb8;
	[tilespmem:$0x1EA80] =	vst v63  }
0xa6: {  	_ = 	snop  }
0xa7: {  	[spmem:s3] =	stream.indirect.scatter.add.f32 [tilespmem:s16], [sflag:$0x6], $0x10, s8, s15, $0xb8;
	[tilespmem:$0x1EA80] =	vst v63  }
0xa8: {  	_ =	swait.ge [sflag:s12], $0x2800  }
0xa9: {  	[sflag:s12] =	ssyncset.done $0x0  }
0xaa: {  	[sflag:s12] =	ssyncadd.s32 $0xFFFFD800  }
0xab: {  	_ =	swait.ge [sflag:s12], $0x500  }
0xac: {  	[sflag:s12] =	ssyncset.done $0x0  }
0xad: {  	s25 =	sadd.s32 s24, s29;
	[sflag:s12] =	ssyncadd.s32 $0xFFFFFB00  }
0xae: {  	[tilespmem:s10], [sflag:$0x1] =	stream.linear.gather [hbm4b:s25+s4], $0x2800, $0x38;
	[tilespmem:$0x1EA80] =	vst v63  }
0xaf: {  	_ = 	snop  }
0xb0: {  	[tilespmem:s13], [sflag:$0x1] =	stream.linear.gather [hbm4b:s28+s4], $0x50, $0x38;
	[tilespmem:$0x1EA80] =	vst v63  }
0xb1: {  	_ =	swait.ge [sflag:s19], $0x2800  }
0xb2: {  	[sflag:s19] =	ssyncset.done $0x0  }
0xb3: {  	[sflag:s19] =	ssyncadd.s32 $0xFFFFD800  }
0xb4: {  	_ =	swait.ge [sflag:s19], $0x500  }
0xb5: {  	[sflag:s19] =	ssyncset.done $0x0  }
0xb6: {  	s11 =	sadd.s32 s24, s31;
	[sflag:s19] =	ssyncadd.s32 $0xFFFFFB00  }
0xb7: {  	[tilespmem:s5], [sflag:$0x2] =	stream.linear.gather [hbm4b:s11+s4], $0x2800, $0x38;
	[tilespmem:$0x1EA80] =	vst v63  }
0xb8: {  	s26 =	sadd.s32 $0xA, s28  }
0xb9: {  	[tilespmem:s6], [sflag:$0x2] =	stream.linear.gather [hbm4b:s26+s4], $0x50, $0x38;
	[tilespmem:$0x1EA80] =	vst v63  }
0xba: {  	p1 =	seq.s32 s24, $0x25800;
	_ =	swait.ge [sflag:s20], $0x2800  }
0xbb: {  	s25 =	sadd.s32 @!p1 s24, s30;
	s24 =	sadd.s32 @!p1 $0xF00, s24;
	[sflag:s20] =	ssyncset.done $0x0  }
0xbc: {  	p2 =	sne.s32 @!p1 s24, $0x26700;
	[sflag:s20] =	ssyncadd.s32 $0xFFFFD800  }
0xbd: {  	p2 =	por p1, !p2;
	_ =	swait.ge [sflag:s20], $0x500  }
.Ltmp3:
0xbe: {  	[sflag:s20] =	ssyncset.done $0x0;
	(pc) =	sbr.rel @!p2 .LBB2_8-.Ltmp3, $4  }
0xbf: {  	s11 =	simm.s32 @!p1 $0x1AF90;
	s26 =	simm.s32 @!p1 $0x0;
	[sflag:s20] =	ssyncadd.s32 $0xFFFFFB00  }
0xc0: {  	[tilespmem:s11], [sflag:$0x3] =	stream.linear.gather @!p1 [hbm4b:s25+s26], $0x2800, $0x38;
	[tilespmem:$0x1EA80] =	vst v63  }
0xc1: {  	s11 =	sadd.s32 @!p1 $0x14, s28;
	s25 =	simm.s32 @!p1 $0x1D830;
	s28 =	sadd.s32 @!p1 $0x1E, s28  }
0xc2: {  	[tilespmem:s25], [sflag:$0x3] =	stream.linear.gather @!p1 [hbm4b:s11+s26], $0x50, $0x38;
	[tilespmem:$0x1EA80] =	vst v63  }
0xc3: {  	_ =	swait.ge [sflag:s14], $0x2800  }
0xc4: {  	[sflag:s14] =	ssyncset.done $0x0  }
0xc5: {  	[sflag:s14] =	ssyncadd.s32 $0xFFFFD800  }
0xc6: {  	_ =	swait.ge [sflag:s14], $0x50  }
0xc7: {  	[sflag:s14] =	ssyncset.done $0x0  }
0xc8: {  	[sflag:s14] =	ssyncadd.s32 $0xFFFFFFB0  }
0xc9: {  	[spmem:s0] =	stream.indirect.scatter.add.f32 [tilespmem:s10], [sflag:$0x7], $0x80, s13, s15, $0xb8;
	[tilespmem:$0x1EA80] =	vst v63  }
0xca: {  	_ =	swait.ge [sflag:s22], $0x2800  }
0xcb: {  	[sflag:s22] =	ssyncset.done $0x0  }
0xcc: {  	[sflag:s22] =	ssyncadd.s32 $0xFFFFD800  }
0xcd: {  	[spmem:s3] =	stream.indirect.scatter.add.f32 [tilespmem:s16], [sflag:$0x7], $0x10, s13, s15, $0xb8;
	[tilespmem:$0x1EA80] =	vst v63  }
0xce: {  	_ =	swait.ge [sflag:s22], $0x500  }
0xcf: {  	[sflag:s22] =	ssyncset.done $0x0  }
0xd0: {  	[sflag:s22] =	ssyncadd.s32 $0xFFFFFB00  }
0xd1: {  	_ =	swait.ge [sflag:s17], $0x2800  }
0xd2: {  	[sflag:s17] =	ssyncset.done $0x0  }
0xd3: {  	[sflag:s17] =	ssyncadd.s32 $0xFFFFD800  }
0xd4: {  	_ =	swait.ge [sflag:s17], $0x50  }
0xd5: {  	[sflag:s17] =	ssyncset.done $0x0  }
0xd6: {  	[sflag:s17] =	ssyncadd.s32 $0xFFFFFFB0  }
0xd7: {  	[spmem:s0] =	stream.indirect.scatter.add.f32 [tilespmem:s5], [sflag:$0x7], $0x80, s6, s15, $0xb8;
	[tilespmem:$0x1EA80] =	vst v63  }
0xd8: {  	_ =	swait.ge [sflag:s22], $0x2800  }
0xd9: {  	[sflag:s22] =	ssyncset.done $0x0  }
0xda: {  	[sflag:s22] =	ssyncadd.s32 $0xFFFFD800  }
0xdb: {  	[spmem:s3] =	stream.indirect.scatter.add.f32 [tilespmem:s16], [sflag:$0x7], $0x10, s6, s15, $0xb8;
	[tilespmem:$0x1EA80] =	vst v63  }
0xdc: {  	_ =	swait.ge [sflag:s22], $0x500  }
0xdd: {  	[sflag:s22] =	ssyncset.done $0x0  }
0xde: {  	s11 =	stileid.u32;
	[sflag:s22] =	ssyncadd.s32 $0xFFFFFB00  }
0xdf: {  	s11 =	sshll.u32 s11, $0x6;
	[bflag:$0x0] =	sbarrier.arrive $0xFFFF  }
0xe0: {  	s24 =	sshrl.u32 s9, $0x3;
	s11 =	sor.u32 $0x1C01, s11;
	s25 =	rddreg [dreg:$0xc]  }
0xe1: {  	[hbm:s25], [sflag:s11] =	dma.local [spmem:s24], $0x2700  }
0xe2: {  	s26 =	sshrl.u32 s21, $0x3;
	s25 =	rddreg [dreg:$0xd]  }
0xe3: {  	[hbm:s25], [sflag:s11] =	dma.local [spmem:s26], $0x4E0  }
0xe4: {  	s24 =	simm.s32 @!p0 $0x1C07;
	s11 =	sshrl.u32 @!p0 s1, $0x3;
	s25 =	rddreg [dreg:$0x18]  }
0xe5: {  	[hbm:s25], [sflag:s24] =	dma.local @!p0 [spmem:s11], $0x100  }
0xe6: {  	s11 =	simm.s32 @!p0 $0x7  }
0xe7: {  	_ =	swait.ge @!p0 [sflag:s11], $0x100  }
0xe8: {  	[sflag:s11] =	ssyncset.done @!p0 $0x0  }
0xe9: {  	s25 =	sshrl.u32 @!p0 s2, $0x3;
	s26 =	rddreg [dreg:$0x19];
	[sflag:s11] =	ssyncadd.s32 @!p0 $0xFFFFFF00  }
0xea: {  	[hbm:s26], [sflag:s24] =	dma.local @!p0 [spmem:s25], $0x20  }
0xeb: {  	_ =	swait.ge @!p0 [sflag:s11], $0x20  }
0xec: {  	[sflag:s11] =	ssyncset.done @!p0 $0x0  }
0xed: {  	[sflag:s11] =	ssyncadd.s32 @!p0 $0xFFFFFFE0  }
0xee: {  	_ =	swait.ge [sflag:s14], $0x2700  }
0xef: {  	[sflag:s14] =	ssyncset.done $0x0  }
0xf0: {  	[sflag:s14] =	ssyncadd.s32 $0xFFFFD900  }
0xf1: {  	_ =	swait.ge [sflag:s14], $0x4E0  }
0xf2: {  	s23 =	sadd.s32 $0x1, s23;
	s28 =	rddreg [dreg:$0x1a]  }
0xf3: {  	p1 =	sne.s32 s23, s28  }
.Ltmp4:
0xf4: {  	_ = 	snop;
	(pc) =	sbr.rel @p1 .LBB2_1-.Ltmp4, $3  }
0xf5: {  	_ =	sdelay $0x1  }
0xf6: {  	[sflag:s14] =	ssyncset.done $0x0  }
0xf7: {  	[sflag:s14] =	ssyncadd.s32 $0xFFFFFB20  }
0xf8: {  	_ =	sfence.sel $0x180000  }
0xf9: {  	[bflag:$0x0] =	sbarrier.arrive $0xFFFF  }
0xfa: {  	_ =	strace $0x90000047  }
0xfb: {  	[bflag:$0x2] =	sbarrier.arrive $0xFFFF  }
0xfc: {  	s0 =	rddreg [dreg:$0x6]  }
0xfd: {  	s0 =	sadd.s32 @!p0 $0x100000, s0  }
0xfe: {  	[sflag:s0] =	ssyncadd.tile.s32 @!p0 $0x1;
	_ =	shalt  }
.Lfunc_end2:
_tile_overlayer_lowered:
.L_overlay_start_2:
0xff: {  	(tag) =	ssettag $0x2  }
0x100: {  	s0 =	rddreg [dreg:$0x0];
	s2 =	stileid.u32  }
0x101: {  	s1 =	rddreg [dreg:$0x1];
	p0 =	sne.s32 s2, $0x0  }
0x102: {  	s3 =	rddreg [dreg:$0x2];
	[bflag:$0x3] =	sbarrier.arrive $0xFFFF;
	s2 =	simm.s32 @!p0 $0x1C07  }
0x103: {  	[timem:s3], [sflag:s2] =	dma.local @!p0 [hbm:s0], s1  }
0x104: {  	s0 =	simm.s32 @!p0 $0x7  }
0x105: {  	_ =	swait.ge @!p0 [sflag:s0], s1  }
0x106: {  	s1 =	ssub.s32 @!p0 $0x0, s1;
	[sflag:s0] =	ssyncset.done @!p0 $0x0  }
0x107: {  	[sflag:s0] =	ssyncadd.s32 @!p0 s1  }
0x108: {  	[bflag:$0x3] =	sbarrier.arrive $0xFFFF  }
0x109: {  	_ =	shalt  }

</sc_bundles>
